<compile_context>
chip_gen: v7x
topology: tpu7x:2x2x1
jax: 0.10.2.dev20260603
libtpu: 0.0.44.dev20260713+nightly
codegen_flags: <defaults>
</compile_context>

<pallas_src>
import functools

import jax
import jax.numpy as jnp
from jax import lax
from jax.experimental import pallas as pl
from jax.experimental.pallas import tpu as pltpu
from jax.experimental.pallas import tpu_sc as plsc

R, C = 16384, 1024
RNG_LEN = 1024
NC, NS = 2, 16
NW = NC * NS
ROWS_W = R // NW
BR = 16
NCHUNK = ROWS_W // BR
NBUF = 2
LANES = 16
VECS = BR * C // LANES


def _body(bin_hbm, cyc_hbm, rng_hbm, out_hbm, rng_v, bin_v, cyc_v, out_v,
          sin_b, sin_c, sout):
    wid = lax.axis_index("s") * NC + lax.axis_index("c")
    base = wid * ROWS_W

    def start_in(g, b):
        r0 = base + g * BR
        pltpu.async_copy(bin_hbm.at[pl.ds(r0, BR)], bin_v.at[b], sin_b[b])
        pltpu.async_copy(cyc_hbm.at[pl.ds(r0, BR)], cyc_v.at[b], sin_c[b])

    def wait_in(g, b):
        r0 = base + g * BR
        pltpu.make_async_copy(bin_hbm.at[pl.ds(r0, BR)], bin_v.at[b],
                              sin_b[b]).wait()
        pltpu.make_async_copy(cyc_hbm.at[pl.ds(r0, BR)], cyc_v.at[b],
                              sin_c[b]).wait()

    def wait_out(g, b):
        r0 = base + g * BR
        pltpu.make_async_copy(out_v.at[b], out_hbm.at[pl.ds(r0, BR)],
                              sout[b]).wait()

    start_in(0, 0)
    pltpu.sync_copy(rng_hbm, rng_v)

    def super_body(gg, _):
        g0 = gg * NBUF
        for b in range(NBUF):
            g = g0 + b
            nb = (b + 1) % NBUF

            @pl.when(g + 1 < NCHUNK)
            def _():
                start_in(g + 1, nb)

            @pl.when(g >= NBUF)
            def _():
                wait_out(g - NBUF, b)

            wait_in(g, b)

            bv, cv, ov = bin_v.at[b], cyc_v.at[b], out_v.at[b]

            def vec_body(v):
                r = lax.shift_right_logical(v, 6)
                s = lax.shift_left(lax.bitwise_and(v, 63), 4)
                cyc = cv[r, pl.ds(s, LANES)]
                idx = lax.bitwise_and(cyc, RNG_LEN - 1)
                g16 = plsc.load_gather(rng_v, [idx])
                b16 = bv[r, pl.ds(s, LANES)]
                ov[r, pl.ds(s, LANES)] = jnp.where(b16 > g16, 1.0, 0.0)

            plsc.parallel_loop(0, VECS, 1, unroll=16, carry=None)(vec_body)

            r0 = base + g * BR
            pltpu.async_copy(out_v.at[b], out_hbm.at[pl.ds(r0, BR)], sout[b])
        return 0

    lax.fori_loop(0, NCHUNK // NBUF, super_body, 0)
    for b in range(NBUF):
        wait_out(NCHUNK - NBUF + b, b)


@jax.jit
def kernel(binary, rng, cycle):
    mesh = plsc.VectorSubcoreMesh(
        core_axis_name="c", subcore_axis_name="s", num_cores=NC,
        num_subcores=NS)
    run = functools.partial(
        pl.kernel,
        out_type=jax.ShapeDtypeStruct((R, C), jnp.float32),
        mesh=mesh,
        scratch_types=[
            pltpu.VMEM((RNG_LEN,), jnp.float32),
            pltpu.VMEM((NBUF, BR, C), jnp.float32),
            pltpu.VMEM((NBUF, BR, C), jnp.int32),
            pltpu.VMEM((NBUF, BR, C), jnp.float32),
            [pltpu.SemaphoreType.DMA] * NBUF,
            [pltpu.SemaphoreType.DMA] * NBUF,
            [pltpu.SemaphoreType.DMA] * NBUF,
        ],
        compiler_params=pltpu.CompilerParams(
            needs_layout_passes=False, use_tc_tiling_on_sc=True),
    )(_body)
    return run(binary, cycle, rng)

# --- scband reference (transcript-rebuilt; emitter-appended) ---
"""Pipeline reference for scband-bsgen-90787018703212 (READ-ONLY COPY).

The authoritative reference and input builder live on the scoring server;
editing this copy changes nothing except your own understanding.
"""

import jax, jax.numpy as jnp
import numpy as np

RNG_LEN = 1024  # power of two; width = log2(1024) = 10


def setup_inputs(seed: int = 0) -> dict:
    key = jax.random.key(seed)
    k1, k2, k3 = jax.random.split(key, 3)
    # 'binary' is the fixed binary-valued data tensor passed to __init__ (treated as a parameter)
    binary = jax.random.uniform(k1, (16384, 1024), dtype=jnp.float32)
    # 'rng' is the random-number sequence of power-of-two length passed to __init__
    rng = jax.random.uniform(k2, (RNG_LEN,), dtype=jnp.float32)
    # 'cycle' is the forward argument: per-element cycle counters (any int values; modded by RNG_LEN)
    cycle = jax.random.randint(k3, (16384, 1024), 0, 4096, dtype=jnp.int32)
    return {"binary": binary, "rng": rng, "cycle": cycle}


def reference(binary, rng, cycle):
    # torch: torch.gt(self.binary, self.rng[cycle.type(torch.long) % self.len]).type(self.stype)
    idx = cycle.astype(jnp.int32) % RNG_LEN
    gathered = jnp.take(rng, idx)  # gather rng[cycle % len]
    return jnp.greater(binary, gathered).astype(jnp.float32)

if __name__ == "__main__":
    import jax
    _d = setup_inputs()
    print(jax.jit(kernel)(*tuple(_d.values())))

</pallas_src>

<mosaic_0001>
#map = affine_map<(d0, d1) -> (0, 0)>
#map1 = affine_map<(d0, d1) -> (0)>
module attributes {stable_mosaic.version = 14 : i64} {
  func.func @_body(%arg0: i32, %arg1: i32, %arg2: memref<16384x1024xf32, #tpu.memory_space<hbm>>, %arg3: memref<16384x1024xi32, #tpu.memory_space<hbm>>, %arg4: memref<1024xf32, #tpu.memory_space<hbm>>, %arg5: memref<16384x1024xf32, #tpu.memory_space<hbm>>, %arg6: memref<1024xf32, #tpu.memory_space<vmem>>, %arg7: memref<2x16x1024xf32, #tpu.memory_space<vmem>>, %arg8: memref<2x16x1024xi32, #tpu.memory_space<vmem>>, %arg9: memref<2x16x1024xf32, #tpu.memory_space<vmem>>, %arg10: memref<!tpu.dma_semaphore, #tpu.memory_space<semaphore_mem>>, %arg11: memref<!tpu.dma_semaphore, #tpu.memory_space<semaphore_mem>>, %arg12: memref<!tpu.dma_semaphore, #tpu.memory_space<semaphore_mem>>, %arg13: memref<!tpu.dma_semaphore, #tpu.memory_space<semaphore_mem>>, %arg14: memref<!tpu.dma_semaphore, #tpu.memory_space<semaphore_mem>>, %arg15: memref<!tpu.dma_semaphore, #tpu.memory_space<semaphore_mem>>) attributes {dimension_semantics = [#tpu.dimension_semantics<core_parallel>, #tpu.dimension_semantics<subcore_parallel>], iteration_bounds = array<i64: 2, 16>, scalar_prefetch = 0 : i64, scratch_operands = 10 : i64, tpu.core_type = #tpu.core_type<sc_vector_subcore>, window_params = [{transform_indices = #map}, {transform_indices = #map}, {transform_indices = #map1}, {transform_indices = #map}]} {
    %mul3A = arith.constant 2 : i32
    %mul3A_0 = arith.muli %arg1, %mul3A : i32
    %add3A = arith.addi %mul3A_0, %arg0 : i32
    %mul3A_1 = arith.constant 512 : i32
    %mul3A_2 = arith.muli %add3A, %mul3A_1 : i32
    %add3A_3 = arith.constant 0 : i32
    %add3A_4 = arith.addi %mul3A_2, %add3A_3 : i32
    %dma_start3A = arith.constant 0 : i32
    %dma_start3A_5 = arith.constant 0 : i32
    %dma_start3A_6 = arith.constant 0 : i32
    %dma_start3A_7 = tpu.memref_slice %arg7[%dma_start3A, %dma_start3A_5, %dma_start3A_6] : memref<2x16x1024xf32, #tpu.memory_space<vmem>> -> memref<1x16x1024xf32, #tpu.memory_space<vmem>>
    %dma_start3A_8 = tpu.memref_squeeze %dma_start3A_7 : memref<1x16x1024xf32, #tpu.memory_space<vmem>> -> memref<16x1024xf32, #tpu.memory_space<vmem>>
    %dma_start3A_9 = arith.constant 0 : i32
    %dma_start3A_10 = tpu.memref_slice %arg2[%add3A_4, %dma_start3A_9] : memref<16384x1024xf32, #tpu.memory_space<hbm>> -> memref<16x1024xf32, #tpu.memory_space<hbm>>
    %dma_start3A_11 = arith.constant 0 : i32
    %dma_start3A_12 = arith.constant 0 : i32
    %dma_start3A_13 = tpu.memref_slice %arg7[%dma_start3A, %dma_start3A_11, %dma_start3A_12] : memref<2x16x1024xf32, #tpu.memory_space<vmem>> -> memref<1x16x1024xf32, #tpu.memory_space<vmem>>
    %dma_start3A_14 = tpu.memref_squeeze %dma_start3A_13 : memref<1x16x1024xf32, #tpu.memory_space<vmem>> -> memref<16x1024xf32, #tpu.memory_space<vmem>>
    %dma_start3A_15 = arith.constant 0 : i32
    %dma_start3A_16 = tpu.memref_slice %arg2[%add3A_4, %dma_start3A_15] : memref<16384x1024xf32, #tpu.memory_space<hbm>> -> memref<16x1024xf32, #tpu.memory_space<hbm>>
    tpu.enqueue_dma source(%dma_start3A_16 : memref<16x1024xf32, #tpu.memory_space<hbm>>) target(%dma_start3A_14 : memref<16x1024xf32, #tpu.memory_space<vmem>>) target_semaphore(%arg10 : memref<!tpu.dma_semaphore, #tpu.memory_space<semaphore_mem>>)
    %dma_start3A_17 = arith.constant 0 : i32
    %dma_start3A_18 = arith.constant 0 : i32
    %dma_start3A_19 = arith.constant 0 : i32
    %dma_start3A_20 = tpu.memref_slice %arg8[%dma_start3A_17, %dma_start3A_18, %dma_start3A_19] : memref<2x16x1024xi32, #tpu.memory_space<vmem>> -> memref<1x16x1024xi32, #tpu.memory_space<vmem>>
    %dma_start3A_21 = tpu.memref_squeeze %dma_start3A_20 : memref<1x16x1024xi32, #tpu.memory_space<vmem>> -> memref<16x1024xi32, #tpu.memory_space<vmem>>
    %dma_start3A_22 = arith.constant 0 : i32
    %dma_start3A_23 = tpu.memref_slice %arg3[%add3A_4, %dma_start3A_22] : memref<16384x1024xi32, #tpu.memory_space<hbm>> -> memref<16x1024xi32, #tpu.memory_space<hbm>>
    %dma_start3A_24 = arith.constant 0 : i32
    %dma_start3A_25 = arith.constant 0 : i32
    %dma_start3A_26 = tpu.memref_slice %arg8[%dma_start3A_17, %dma_start3A_24, %dma_start3A_25] : memref<2x16x1024xi32, #tpu.memory_space<vmem>> -> memref<1x16x1024xi32, #tpu.memory_space<vmem>>
    %dma_start3A_27 = tpu.memref_squeeze %dma_start3A_26 : memref<1x16x1024xi32, #tpu.memory_space<vmem>> -> memref<16x1024xi32, #tpu.memory_space<vmem>>
    %dma_start3A_28 = arith.constant 0 : i32
    %dma_start3A_29 = tpu.memref_slice %arg3[%add3A_4, %dma_start3A_28] : memref<16384x1024xi32, #tpu.memory_space<hbm>> -> memref<16x1024xi32, #tpu.memory_space<hbm>>
    tpu.enqueue_dma source(%dma_start3A_29 : memref<16x1024xi32, #tpu.memory_space<hbm>>) target(%dma_start3A_27 : memref<16x1024xi32, #tpu.memory_space<vmem>>) target_semaphore(%arg12 : memref<!tpu.dma_semaphore, #tpu.memory_space<semaphore_mem>>)
    "tpu.region"() ({
      %run_scoped3A = tpu.sem_alloc : memref<!tpu.dma_semaphore, #tpu.memory_space<semaphore_mem>>
      tpu.enqueue_dma source(%arg4 : memref<1024xf32, #tpu.memory_space<hbm>>) target(%arg6 : memref<1024xf32, #tpu.memory_space<vmem>>) target_semaphore(%run_scoped3A : memref<!tpu.dma_semaphore, #tpu.memory_space<semaphore_mem>>)
      tpu.wait_dma2 semaphore(%run_scoped3A : memref<!tpu.dma_semaphore, #tpu.memory_space<semaphore_mem>>) src(%arg4 : memref<1024xf32, #tpu.memory_space<hbm>>) dst(%arg6 : memref<1024xf32, #tpu.memory_space<vmem>>)
      tpu.yield
    }) : () -> ()
    %scan3A = arith.constant 0 : i32
    %scan3A_30 = arith.constant 0 : i32
    %scan3A_31 = arith.constant 16 : i32
    %scan3A_32 = arith.addi %scan3A_30, %scan3A_31 : i32
    %scan3A_33 = arith.constant 1 : i32
    %scan3A_34 = scf.for %scan3A_65 = %scan3A_30 to %scan3A_32 step %scan3A_33 iter_args(%scan3A_66 = %scan3A) -> (i32)  : i32 {
      %mul3A_67 = arith.constant 2 : i32
      %mul3A_68 = arith.muli %scan3A_65, %mul3A_67 : i32
      %add3A_69 = arith.constant 0 : i32
      %add3A_70 = arith.addi %mul3A_68, %add3A_69 : i32
      %add3A_71 = arith.constant 1 : i32
      %add3A_72 = arith.addi %add3A_70, %add3A_71 : i32
      %lt3A = arith.constant 32 : i32
      %lt3A_73 = arith.cmpi slt, %add3A_72, %lt3A : i32
      %convert_element_type3A = arith.extui %lt3A_73 : i1 to i32
      %cond3A = arith.constant 0 : i32
      %cond3A_74 = arith.cmpi ne, %convert_element_type3A, %cond3A : i32
      scf.if %cond3A_74 {
        %add3A_195 = arith.constant 1 : i32
        %add3A_196 = arith.addi %add3A_70, %add3A_195 : i32
        %mul3A_197 = arith.constant 16 : i32
        %mul3A_198 = arith.muli %add3A_196, %mul3A_197 : i32
        %add3A_199 = arith.addi %mul3A_2, %mul3A_198 : i32
        %dma_start3A_200 = arith.constant 1 : i32
        %dma_start3A_201 = arith.constant 0 : i32
        %dma_start3A_202 = arith.constant 0 : i32
        %dma_start3A_203 = tpu.memref_slice %arg7[%dma_start3A_200, %dma_start3A_201, %dma_start3A_202] : memref<2x16x1024xf32, #tpu.memory_space<vmem>> -> memref<1x16x1024xf32, #tpu.memory_space<vmem>>
        %dma_start3A_204 = tpu.memref_squeeze %dma_start3A_203 : memref<1x16x1024xf32, #tpu.memory_space<vmem>> -> memref<16x1024xf32, #tpu.memory_space<vmem>>
        %dma_start3A_205 = arith.constant 0 : i32
        %dma_start3A_206 = tpu.memref_slice %arg2[%add3A_199, %dma_start3A_205] : memref<16384x1024xf32, #tpu.memory_space<hbm>> -> memref<16x1024xf32, #tpu.memory_space<hbm>>
        %dma_start3A_207 = arith.constant 0 : i32
        %dma_start3A_208 = arith.constant 0 : i32
        %dma_start3A_209 = tpu.memref_slice %arg7[%dma_start3A_200, %dma_start3A_207, %dma_start3A_208] : memref<2x16x1024xf32, #tpu.memory_space<vmem>> -> memref<1x16x1024xf32, #tpu.memory_space<vmem>>
        %dma_start3A_210 = tpu.memref_squeeze %dma_start3A_209 : memref<1x16x1024xf32, #tpu.memory_space<vmem>> -> memref<16x1024xf32, #tpu.memory_space<vmem>>
        %dma_start3A_211 = arith.constant 0 : i32
        %dma_start3A_212 = tpu.memref_slice %arg2[%add3A_199, %dma_start3A_211] : memref<16384x1024xf32, #tpu.memory_space<hbm>> -> memref<16x1024xf32, #tpu.memory_space<hbm>>
        tpu.enqueue_dma source(%dma_start3A_212 : memref<16x1024xf32, #tpu.memory_space<hbm>>) target(%dma_start3A_210 : memref<16x1024xf32, #tpu.memory_space<vmem>>) target_semaphore(%arg11 : memref<!tpu.dma_semaphore, #tpu.memory_space<semaphore_mem>>)
        %dma_start3A_213 = arith.constant 1 : i32
        %dma_start3A_214 = arith.constant 0 : i32
        %dma_start3A_215 = arith.constant 0 : i32
        %dma_start3A_216 = tpu.memref_slice %arg8[%dma_start3A_213, %dma_start3A_214, %dma_start3A_215] : memref<2x16x1024xi32, #tpu.memory_space<vmem>> -> memref<1x16x1024xi32, #tpu.memory_space<vmem>>
        %dma_start3A_217 = tpu.memref_squeeze %dma_start3A_216 : memref<1x16x1024xi32, #tpu.memory_space<vmem>> -> memref<16x1024xi32, #tpu.memory_space<vmem>>
        %dma_start3A_218 = arith.constant 0 : i32
        %dma_start3A_219 = tpu.memref_slice %arg3[%add3A_199, %dma_start3A_218] : memref<16384x1024xi32, #tpu.memory_space<hbm>> -> memref<16x1024xi32, #tpu.memory_space<hbm>>
        %dma_start3A_220 = arith.constant 0 : i32
        %dma_start3A_221 = arith.constant 0 : i32
        %dma_start3A_222 = tpu.memref_slice %arg8[%dma_start3A_213, %dma_start3A_220, %dma_start3A_221] : memref<2x16x1024xi32, #tpu.memory_space<vmem>> -> memref<1x16x1024xi32, #tpu.memory_space<vmem>>
        %dma_start3A_223 = tpu.memref_squeeze %dma_start3A_222 : memref<1x16x1024xi32, #tpu.memory_space<vmem>> -> memref<16x1024xi32, #tpu.memory_space<vmem>>
        %dma_start3A_224 = arith.constant 0 : i32
        %dma_start3A_225 = tpu.memref_slice %arg3[%add3A_199, %dma_start3A_224] : memref<16384x1024xi32, #tpu.memory_space<hbm>> -> memref<16x1024xi32, #tpu.memory_space<hbm>>
        tpu.enqueue_dma source(%dma_start3A_225 : memref<16x1024xi32, #tpu.memory_space<hbm>>) target(%dma_start3A_223 : memref<16x1024xi32, #tpu.memory_space<vmem>>) target_semaphore(%arg13 : memref<!tpu.dma_semaphore, #tpu.memory_space<semaphore_mem>>)
      } else {
      }
      %ge3A = arith.constant 2 : i32
      %ge3A_75 = arith.cmpi sge, %add3A_70, %ge3A : i32
      %convert_element_type3A_76 = arith.extui %ge3A_75 : i1 to i32
      %cond3A_77 = arith.constant 0 : i32
      %cond3A_78 = arith.cmpi ne, %convert_element_type3A_76, %cond3A_77 : i32
      scf.if %cond3A_78 {
        %sub3A = arith.constant 2 : i32
        %sub3A_195 = arith.subi %add3A_70, %sub3A : i32
        %mul3A_196 = arith.constant 16 : i32
        %mul3A_197 = arith.muli %sub3A_195, %mul3A_196 : i32
        %add3A_198 = arith.addi %mul3A_2, %mul3A_197 : i32
        %dma_wait3A_199 = arith.constant 0 : i32
        %dma_wait3A_200 = arith.constant 0 : i32
        %dma_wait3A_201 = arith.constant 0 : i32
        %dma_wait3A_202 = tpu.memref_slice %arg9[%dma_wait3A_199, %dma_wait3A_200, %dma_wait3A_201] : memref<2x16x1024xf32, #tpu.memory_space<vmem>> -> memref<1x16x1024xf32, #tpu.memory_space<vmem>>
        %dma_wait3A_203 = tpu.memref_squeeze %dma_wait3A_202 : memref<1x16x1024xf32, #tpu.memory_space<vmem>> -> memref<16x1024xf32, #tpu.memory_space<vmem>>
        %dma_wait3A_204 = arith.constant 0 : i32
        %dma_wait3A_205 = tpu.memref_slice %arg5[%add3A_198, %dma_wait3A_204] : memref<16384x1024xf32, #tpu.memory_space<hbm>> -> memref<16x1024xf32, #tpu.memory_space<hbm>>
        %dma_wait3A_206 = arith.constant 0 : i32
        %dma_wait3A_207 = tpu.memref_slice %arg5[%add3A_198, %dma_wait3A_206] : memref<16384x1024xf32, #tpu.memory_space<hbm>> -> memref<16x1024xf32, #tpu.memory_space<hbm>>
        %dma_wait3A_208 = arith.constant 0 : i32
        %dma_wait3A_209 = arith.constant 0 : i32
        %dma_wait3A_210 = tpu.memref_slice %arg9[%dma_wait3A_199, %dma_wait3A_208, %dma_wait3A_209] : memref<2x16x1024xf32, #tpu.memory_space<vmem>> -> memref<1x16x1024xf32, #tpu.memory_space<vmem>>
        %dma_wait3A_211 = tpu.memref_squeeze %dma_wait3A_210 : memref<1x16x1024xf32, #tpu.memory_space<vmem>> -> memref<16x1024xf32, #tpu.memory_space<vmem>>
        tpu.wait_dma2 semaphore(%arg14 : memref<!tpu.dma_semaphore, #tpu.memory_space<semaphore_mem>>) src(%dma_wait3A_211 : memref<16x1024xf32, #tpu.memory_space<vmem>>) dst(%dma_wait3A_207 : memref<16x1024xf32, #tpu.memory_space<hbm>>)
      } else {
      }
      %mul3A_79 = arith.constant 16 : i32
      %mul3A_80 = arith.muli %add3A_70, %mul3A_79 : i32
      %add3A_81 = arith.addi %mul3A_2, %mul3A_80 : i32
      %dma_wait3A_82 = arith.constant 0 : i32
      %dma_wait3A_83 = arith.constant 0 : i32
      %dma_wait3A_84 = arith.constant 0 : i32
      %dma_wait3A_85 = tpu.memref_slice %arg7[%dma_wait3A_82, %dma_wait3A_83, %dma_wait3A_84] : memref<2x16x1024xf32, #tpu.memory_space<vmem>> -> memref<1x16x1024xf32, #tpu.memory_space<vmem>>
      %dma_wait3A_86 = tpu.memref_squeeze %dma_wait3A_85 : memref<1x16x1024xf32, #tpu.memory_space<vmem>> -> memref<16x1024xf32, #tpu.memory_space<vmem>>
      %dma_wait3A_87 = arith.constant 0 : i32
      %dma_wait3A_88 = tpu.memref_slice %arg2[%add3A_81, %dma_wait3A_87] : memref<16384x1024xf32, #tpu.memory_space<hbm>> -> memref<16x1024xf32, #tpu.memory_space<hbm>>
      %dma_wait3A_89 = arith.constant 0 : i32
      %dma_wait3A_90 = arith.constant 0 : i32
      %dma_wait3A_91 = tpu.memref_slice %arg7[%dma_wait3A_82, %dma_wait3A_89, %dma_wait3A_90] : memref<2x16x1024xf32, #tpu.memory_space<vmem>> -> memref<1x16x1024xf32, #tpu.memory_space<vmem>>
      %dma_wait3A_92 = tpu.memref_squeeze %dma_wait3A_91 : memref<1x16x1024xf32, #tpu.memory_space<vmem>> -> memref<16x1024xf32, #tpu.memory_space<vmem>>
      %dma_wait3A_93 = arith.constant 0 : i32
      %dma_wait3A_94 = tpu.memref_slice %arg2[%add3A_81, %dma_wait3A_93] : memref<16384x1024xf32, #tpu.memory_space<hbm>> -> memref<16x1024xf32, #tpu.memory_space<hbm>>
      tpu.wait_dma2 semaphore(%arg10 : memref<!tpu.dma_semaphore, #tpu.memory_space<semaphore_mem>>) src(%dma_wait3A_94 : memref<16x1024xf32, #tpu.memory_space<hbm>>) dst(%dma_wait3A_92 : memref<16x1024xf32, #tpu.memory_space<vmem>>)
      %dma_wait3A_95 = arith.constant 0 : i32
      %dma_wait3A_96 = arith.constant 0 : i32
      %dma_wait3A_97 = arith.constant 0 : i32
      %dma_wait3A_98 = tpu.memref_slice %arg8[%dma_wait3A_95, %dma_wait3A_96, %dma_wait3A_97] : memref<2x16x1024xi32, #tpu.memory_space<vmem>> -> memref<1x16x1024xi32, #tpu.memory_space<vmem>>
      %dma_wait3A_99 = tpu.memref_squeeze %dma_wait3A_98 : memref<1x16x1024xi32, #tpu.memory_space<vmem>> -> memref<16x1024xi32, #tpu.memory_space<vmem>>
      %dma_wait3A_100 = arith.constant 0 : i32
      %dma_wait3A_101 = tpu.memref_slice %arg3[%add3A_81, %dma_wait3A_100] : memref<16384x1024xi32, #tpu.memory_space<hbm>> -> memref<16x1024xi32, #tpu.memory_space<hbm>>
      %dma_wait3A_102 = arith.constant 0 : i32
      %dma_wait3A_103 = arith.constant 0 : i32
      %dma_wait3A_104 = tpu.memref_slice %arg8[%dma_wait3A_95, %dma_wait3A_102, %dma_wait3A_103] : memref<2x16x1024xi32, #tpu.memory_space<vmem>> -> memref<1x16x1024xi32, #tpu.memory_space<vmem>>
      %dma_wait3A_105 = tpu.memref_squeeze %dma_wait3A_104 : memref<1x16x1024xi32, #tpu.memory_space<vmem>> -> memref<16x1024xi32, #tpu.memory_space<vmem>>
      %dma_wait3A_106 = arith.constant 0 : i32
      %dma_wait3A_107 = tpu.memref_slice %arg3[%add3A_81, %dma_wait3A_106] : memref<16384x1024xi32, #tpu.memory_space<hbm>> -> memref<16x1024xi32, #tpu.memory_space<hbm>>
      tpu.wait_dma2 semaphore(%arg12 : memref<!tpu.dma_semaphore, #tpu.memory_space<semaphore_mem>>) src(%dma_wait3A_107 : memref<16x1024xi32, #tpu.memory_space<hbm>>) dst(%dma_wait3A_105 : memref<16x1024xi32, #tpu.memory_space<vmem>>)
      %parallel_loop3A = arith.constant 0 : i32
      %parallel_loop3A_108 = arith.constant 1024 : i32
      %parallel_loop3A_109 = arith.constant 1 : i32
      %parallel_loop3A_110 = arith.constant 0 : i32
      %parallel_loop3A_111 = arith.constant 0 : i32
      %parallel_loop3A_112 = arith.constant 0 : i32
      scf.for %parallel_loop3A_195 = %parallel_loop3A to %parallel_loop3A_108 step %parallel_loop3A_109  : i32 {
        %parallel_loop3A_196 = arith.constant 6 : i32
        %parallel_loop3A_197 = arith.shrui %parallel_loop3A_195, %parallel_loop3A_196 : i32
        %parallel_loop3A_198 = arith.constant 63 : i32
        %parallel_loop3A_199 = arith.andi %parallel_loop3A_195, %parallel_loop3A_198 : i32
        %parallel_loop3A_200 = arith.constant 4 : i32
        %parallel_loop3A_201 = arith.shli %parallel_loop3A_199, %parallel_loop3A_200 : i32
        %parallel_loop3A_202 = arith.constant 0 : i32
        %parallel_loop3A_203 = arith.constant 0 : i32
        %parallel_loop3A_204 = tpu.memref_slice %arg8[%parallel_loop3A_110, %parallel_loop3A_202, %parallel_loop3A_203] : memref<2x16x1024xi32, #tpu.memory_space<vmem>> -> memref<1x16x1024xi32, #tpu.memory_space<vmem>>
        %parallel_loop3A_205 = tpu.memref_squeeze %parallel_loop3A_204 : memref<1x16x1024xi32, #tpu.memory_space<vmem>> -> memref<16x1024xi32, #tpu.memory_space<vmem>>
        %parallel_loop3A_206 = arith.index_cast %parallel_loop3A_197 : i32 to index
        %parallel_loop3A_207 = arith.index_cast %parallel_loop3A_201 : i32 to index
        %parallel_loop3A_208 = tpu.vector_load %parallel_loop3A_205[%parallel_loop3A_206, %parallel_loop3A_207] {strides = array<i32>} : memref<16x1024xi32, #tpu.memory_space<vmem>>, vector<16xi32>,
        %parallel_loop3A_209 = arith.constant 1023 : i32
        %parallel_loop3A_210 = vector.broadcast %parallel_loop3A_209 : i32 to vector<16xi32>
        %parallel_loop3A_211 = arith.andi %parallel_loop3A_208, %parallel_loop3A_210 : vector<16xi32>
        %parallel_loop3A_212 = tpu.vector_load_idx %arg6[%parallel_loop3A_211] : memref<1024xf32, #tpu.memory_space<vmem>>[vector<16xi32>], vector<16xf32>,
        %parallel_loop3A_213 = arith.constant 0 : i32
        %parallel_loop3A_214 = arith.constant 0 : i32
        %parallel_loop3A_215 = tpu.memref_slice %arg7[%parallel_loop3A_111, %parallel_loop3A_213, %parallel_loop3A_214] : memref<2x16x1024xf32, #tpu.memory_space<vmem>> -> memref<1x16x1024xf32, #tpu.memory_space<vmem>>
        %parallel_loop3A_216 = tpu.memref_squeeze %parallel_loop3A_215 : memref<1x16x1024xf32, #tpu.memory_space<vmem>> -> memref<16x1024xf32, #tpu.memory_space<vmem>>
        %parallel_loop3A_217 = arith.index_cast %parallel_loop3A_197 : i32 to index
        %parallel_loop3A_218 = arith.index_cast %parallel_loop3A_201 : i32 to index
        %parallel_loop3A_219 = tpu.vector_load %parallel_loop3A_216[%parallel_loop3A_217, %parallel_loop3A_218] {strides = array<i32>} : memref<16x1024xf32, #tpu.memory_space<vmem>>, vector<16xf32>,
        %parallel_loop3A_220 = arith.cmpf ogt, %parallel_loop3A_219, %parallel_loop3A_212 : vector<16xf32>
        %parallel_loop3A_221 = arith.constant 1.000000e+00 : f32
        %parallel_loop3A_222 = arith.constant 0.000000e+00 : f32
        %parallel_loop3A_223 = vector.broadcast %parallel_loop3A_221 : f32 to vector<16xf32>
        %parallel_loop3A_224 = vector.broadcast %parallel_loop3A_222 : f32 to vector<16xf32>
        %parallel_loop3A_225 = arith.select %parallel_loop3A_220, %parallel_loop3A_223, %parallel_loop3A_224 : vector<16xi1>, vector<16xf32>
        %parallel_loop3A_226 = arith.constant 0 : i32
        %parallel_loop3A_227 = arith.constant 0 : i32
        %parallel_loop3A_228 = tpu.memref_slice %arg9[%parallel_loop3A_112, %parallel_loop3A_226, %parallel_loop3A_227] : memref<2x16x1024xf32, #tpu.memory_space<vmem>> -> memref<1x16x1024xf32, #tpu.memory_space<vmem>>
        %parallel_loop3A_229 = tpu.memref_squeeze %parallel_loop3A_228 : memref<1x16x1024xf32, #tpu.memory_space<vmem>> -> memref<16x1024xf32, #tpu.memory_space<vmem>>
        %parallel_loop3A_230 = arith.index_cast %parallel_loop3A_197 : i32 to index
        %parallel_loop3A_231 = arith.index_cast %parallel_loop3A_201 : i32 to index
        %parallel_loop3A_232 = tpu.vector_load %parallel_loop3A_229[%parallel_loop3A_230, %parallel_loop3A_231] {strides = array<i32>} : memref<16x1024xf32, #tpu.memory_space<vmem>>, vector<16xf32>,
        tpu.vector_store %parallel_loop3A_229[%parallel_loop3A_230, %parallel_loop3A_231], %parallel_loop3A_225 {strides = array<i32>} : memref<16x1024xf32, #tpu.memory_space<vmem>>, vector<16xf32>,
      } {sc.loop_unroll_factor = 16 : i64, sc.parallel_access}
      %mul3A_113 = arith.constant 16 : i32
      %mul3A_114 = arith.muli %add3A_70, %mul3A_113 : i32
      %add3A_115 = arith.addi %mul3A_2, %mul3A_114 : i32
      %dma_start3A_116 = arith.constant 0 : i32
      %dma_start3A_117 = arith.constant 0 : i32
      %dma_start3A_118 = arith.constant 0 : i32
      %dma_start3A_119 = tpu.memref_slice %arg9[%dma_start3A_116, %dma_start3A_117, %dma_start3A_118] : memref<2x16x1024xf32, #tpu.memory_space<vmem>> -> memref<1x16x1024xf32, #tpu.memory_space<vmem>>
      %dma_start3A_120 = tpu.memref_squeeze %dma_start3A_119 : memref<1x16x1024xf32, #tpu.memory_space<vmem>> -> memref<16x1024xf32, #tpu.memory_space<vmem>>
      %dma_start3A_121 = arith.constant 0 : i32
      %dma_start3A_122 = tpu.memref_slice %arg5[%add3A_115, %dma_start3A_121] : memref<16384x1024xf32, #tpu.memory_space<hbm>> -> memref<16x1024xf32, #tpu.memory_space<hbm>>
      %dma_start3A_123 = arith.constant 0 : i32
      %dma_start3A_124 = tpu.memref_slice %arg5[%add3A_115, %dma_start3A_123] : memref<16384x1024xf32, #tpu.memory_space<hbm>> -> memref<16x1024xf32, #tpu.memory_space<hbm>>
      %dma_start3A_125 = arith.constant 0 : i32
      %dma_start3A_126 = arith.constant 0 : i32
      %dma_start3A_127 = tpu.memref_slice %arg9[%dma_start3A_116, %dma_start3A_125, %dma_start3A_126] : memref<2x16x1024xf32, #tpu.memory_space<vmem>> -> memref<1x16x1024xf32, #tpu.memory_space<vmem>>
      %dma_start3A_128 = tpu.memref_squeeze %dma_start3A_127 : memref<1x16x1024xf32, #tpu.memory_space<vmem>> -> memref<16x1024xf32, #tpu.memory_space<vmem>>
      tpu.enqueue_dma source(%dma_start3A_128 : memref<16x1024xf32, #tpu.memory_space<vmem>>) target(%dma_start3A_124 : memref<16x1024xf32, #tpu.memory_space<hbm>>) target_semaphore(%arg14 : memref<!tpu.dma_semaphore, #tpu.memory_space<semaphore_mem>>)
      %add3A_129 = arith.constant 1 : i32
      %add3A_130 = arith.addi %mul3A_68, %add3A_129 : i32
      %add3A_131 = arith.constant 1 : i32
      %add3A_132 = arith.addi %add3A_130, %add3A_131 : i32
      %lt3A_133 = arith.constant 32 : i32
      %lt3A_134 = arith.cmpi slt, %add3A_132, %lt3A_133 : i32
      %convert_element_type3A_135 = arith.extui %lt3A_134 : i1 to i32
      %cond3A_136 = arith.constant 0 : i32
      %cond3A_137 = arith.cmpi ne, %convert_element_type3A_135, %cond3A_136 : i32
      scf.if %cond3A_137 {
        %add3A_195 = arith.constant 1 : i32
        %add3A_196 = arith.addi %add3A_130, %add3A_195 : i32
        %mul3A_197 = arith.constant 16 : i32
        %mul3A_198 = arith.muli %add3A_196, %mul3A_197 : i32
        %add3A_199 = arith.addi %mul3A_2, %mul3A_198 : i32
        %dma_start3A_200 = arith.constant 0 : i32
        %dma_start3A_201 = arith.constant 0 : i32
        %dma_start3A_202 = arith.constant 0 : i32
        %dma_start3A_203 = tpu.memref_slice %arg7[%dma_start3A_200, %dma_start3A_201, %dma_start3A_202] : memref<2x16x1024xf32, #tpu.memory_space<vmem>> -> memref<1x16x1024xf32, #tpu.memory_space<vmem>>
        %dma_start3A_204 = tpu.memref_squeeze %dma_start3A_203 : memref<1x16x1024xf32, #tpu.memory_space<vmem>> -> memref<16x1024xf32, #tpu.memory_space<vmem>>
        %dma_start3A_205 = arith.constant 0 : i32
        %dma_start3A_206 = tpu.memref_slice %arg2[%add3A_199, %dma_start3A_205] : memref<16384x1024xf32, #tpu.memory_space<hbm>> -> memref<16x1024xf32, #tpu.memory_space<hbm>>
        %dma_start3A_207 = arith.constant 0 : i32
        %dma_start3A_208 = arith.constant 0 : i32
        %dma_start3A_209 = tpu.memref_slice %arg7[%dma_start3A_200, %dma_start3A_207, %dma_start3A_208] : memref<2x16x1024xf32, #tpu.memory_space<vmem>> -> memref<1x16x1024xf32, #tpu.memory_space<vmem>>
        %dma_start3A_210 = tpu.memref_squeeze %dma_start3A_209 : memref<1x16x1024xf32, #tpu.memory_space<vmem>> -> memref<16x1024xf32, #tpu.memory_space<vmem>>
        %dma_start3A_211 = arith.constant 0 : i32
        %dma_start3A_212 = tpu.memref_slice %arg2[%add3A_199, %dma_start3A_211] : memref<16384x1024xf32, #tpu.memory_space<hbm>> -> memref<16x1024xf32, #tpu.memory_space<hbm>>
        tpu.enqueue_dma source(%dma_start3A_212 : memref<16x1024xf32, #tpu.memory_space<hbm>>) target(%dma_start3A_210 : memref<16x1024xf32, #tpu.memory_space<vmem>>) target_semaphore(%arg10 : memref<!tpu.dma_semaphore, #tpu.memory_space<semaphore_mem>>)
        %dma_start3A_213 = arith.constant 0 : i32
        %dma_start3A_214 = arith.constant 0 : i32
        %dma_start3A_215 = arith.constant 0 : i32
        %dma_start3A_216 = tpu.memref_slice %arg8[%dma_start3A_213, %dma_start3A_214, %dma_start3A_215] : memref<2x16x1024xi32, #tpu.memory_space<vmem>> -> memref<1x16x1024xi32, #tpu.memory_space<vmem>>
        %dma_start3A_217 = tpu.memref_squeeze %dma_start3A_216 : memref<1x16x1024xi32, #tpu.memory_space<vmem>> -> memref<16x1024xi32, #tpu.memory_space<vmem>>
        %dma_start3A_218 = arith.constant 0 : i32
        %dma_start3A_219 = tpu.memref_slice %arg3[%add3A_199, %dma_start3A_218] : memref<16384x1024xi32, #tpu.memory_space<hbm>> -> memref<16x1024xi32, #tpu.memory_space<hbm>>
        %dma_start3A_220 = arith.constant 0 : i32
        %dma_start3A_221 = arith.constant 0 : i32
        %dma_start3A_222 = tpu.memref_slice %arg8[%dma_start3A_213, %dma_start3A_220, %dma_start3A_221] : memref<2x16x1024xi32, #tpu.memory_space<vmem>> -> memref<1x16x1024xi32, #tpu.memory_space<vmem>>
        %dma_start3A_223 = tpu.memref_squeeze %dma_start3A_222 : memref<1x16x1024xi32, #tpu.memory_space<vmem>> -> memref<16x1024xi32, #tpu.memory_space<vmem>>
        %dma_start3A_224 = arith.constant 0 : i32
        %dma_start3A_225 = tpu.memref_slice %arg3[%add3A_199, %dma_start3A_224] : memref<16384x1024xi32, #tpu.memory_space<hbm>> -> memref<16x1024xi32, #tpu.memory_space<hbm>>
        tpu.enqueue_dma source(%dma_start3A_225 : memref<16x1024xi32, #tpu.memory_space<hbm>>) target(%dma_start3A_223 : memref<16x1024xi32, #tpu.memory_space<vmem>>) target_semaphore(%arg12 : memref<!tpu.dma_semaphore, #tpu.memory_space<semaphore_mem>>)
      } else {
      }
      %ge3A_138 = arith.constant 2 : i32
      %ge3A_139 = arith.cmpi sge, %add3A_130, %ge3A_138 : i32
      %convert_element_type3A_140 = arith.extui %ge3A_139 : i1 to i32
      %cond3A_141 = arith.constant 0 : i32
      %cond3A_142 = arith.cmpi ne, %convert_element_type3A_140, %cond3A_141 : i32
      scf.if %cond3A_142 {
        %sub3A = arith.constant 2 : i32
        %sub3A_195 = arith.subi %add3A_130, %sub3A : i32
        %mul3A_196 = arith.constant 16 : i32
        %mul3A_197 = arith.muli %sub3A_195, %mul3A_196 : i32
        %add3A_198 = arith.addi %mul3A_2, %mul3A_197 : i32
        %dma_wait3A_199 = arith.constant 1 : i32
        %dma_wait3A_200 = arith.constant 0 : i32
        %dma_wait3A_201 = arith.constant 0 : i32
        %dma_wait3A_202 = tpu.memref_slice %arg9[%dma_wait3A_199, %dma_wait3A_200, %dma_wait3A_201] : memref<2x16x1024xf32, #tpu.memory_space<vmem>> -> memref<1x16x1024xf32, #tpu.memory_space<vmem>>
        %dma_wait3A_203 = tpu.memref_squeeze %dma_wait3A_202 : memref<1x16x1024xf32, #tpu.memory_space<vmem>> -> memref<16x1024xf32, #tpu.memory_space<vmem>>
        %dma_wait3A_204 = arith.constant 0 : i32
        %dma_wait3A_205 = tpu.memref_slice %arg5[%add3A_198, %dma_wait3A_204] : memref<16384x1024xf32, #tpu.memory_space<hbm>> -> memref<16x1024xf32, #tpu.memory_space<hbm>>
        %dma_wait3A_206 = arith.constant 0 : i32
        %dma_wait3A_207 = tpu.memref_slice %arg5[%add3A_198, %dma_wait3A_206] : memref<16384x1024xf32, #tpu.memory_space<hbm>> -> memref<16x1024xf32, #tpu.memory_space<hbm>>
        %dma_wait3A_208 = arith.constant 0 : i32
        %dma_wait3A_209 = arith.constant 0 : i32
        %dma_wait3A_210 = tpu.memref_slice %arg9[%dma_wait3A_199, %dma_wait3A_208, %dma_wait3A_209] : memref<2x16x1024xf32, #tpu.memory_space<vmem>> -> memref<1x16x1024xf32, #tpu.memory_space<vmem>>
        %dma_wait3A_211 = tpu.memref_squeeze %dma_wait3A_210 : memref<1x16x1024xf32, #tpu.memory_space<vmem>> -> memref<16x1024xf32, #tpu.memory_space<vmem>>
        tpu.wait_dma2 semaphore(%arg15 : memref<!tpu.dma_semaphore, #tpu.memory_space<semaphore_mem>>) src(%dma_wait3A_211 : memref<16x1024xf32, #tpu.memory_space<vmem>>) dst(%dma_wait3A_207 : memref<16x1024xf32, #tpu.memory_space<hbm>>)
      } else {
      }
      %mul3A_143 = arith.constant 16 : i32
      %mul3A_144 = arith.muli %add3A_130, %mul3A_143 : i32
      %add3A_145 = arith.addi %mul3A_2, %mul3A_144 : i32
      %dma_wait3A_146 = arith.constant 1 : i32
      %dma_wait3A_147 = arith.constant 0 : i32
      %dma_wait3A_148 = arith.constant 0 : i32
      %dma_wait3A_149 = tpu.memref_slice %arg7[%dma_wait3A_146, %dma_wait3A_147, %dma_wait3A_148] : memref<2x16x1024xf32, #tpu.memory_space<vmem>> -> memref<1x16x1024xf32, #tpu.memory_space<vmem>>
      %dma_wait3A_150 = tpu.memref_squeeze %dma_wait3A_149 : memref<1x16x1024xf32, #tpu.memory_space<vmem>> -> memref<16x1024xf32, #tpu.memory_space<vmem>>
      %dma_wait3A_151 = arith.constant 0 : i32
      %dma_wait3A_152 = tpu.memref_slice %arg2[%add3A_145, %dma_wait3A_151] : memref<16384x1024xf32, #tpu.memory_space<hbm>> -> memref<16x1024xf32, #tpu.memory_space<hbm>>
      %dma_wait3A_153 = arith.constant 0 : i32
      %dma_wait3A_154 = arith.constant 0 : i32
      %dma_wait3A_155 = tpu.memref_slice %arg7[%dma_wait3A_146, %dma_wait3A_153, %dma_wait3A_154] : memref<2x16x1024xf32, #tpu.memory_space<vmem>> -> memref<1x16x1024xf32, #tpu.memory_space<vmem>>
      %dma_wait3A_156 = tpu.memref_squeeze %dma_wait3A_155 : memref<1x16x1024xf32, #tpu.memory_space<vmem>> -> memref<16x1024xf32, #tpu.memory_space<vmem>>
      %dma_wait3A_157 = arith.constant 0 : i32
      %dma_wait3A_158 = tpu.memref_slice %arg2[%add3A_145, %dma_wait3A_157] : memref<16384x1024xf32, #tpu.memory_space<hbm>> -> memref<16x1024xf32, #tpu.memory_space<hbm>>
      tpu.wait_dma2 semaphore(%arg11 : memref<!tpu.dma_semaphore, #tpu.memory_space<semaphore_mem>>) src(%dma_wait3A_158 : memref<16x1024xf32, #tpu.memory_space<hbm>>) dst(%dma_wait3A_156 : memref<16x1024xf32, #tpu.memory_space<vmem>>)
      %dma_wait3A_159 = arith.constant 1 : i32
      %dma_wait3A_160 = arith.constant 0 : i32
      %dma_wait3A_161 = arith.constant 0 : i32
      %dma_wait3A_162 = tpu.memref_slice %arg8[%dma_wait3A_159, %dma_wait3A_160, %dma_wait3A_161] : memref<2x16x1024xi32, #tpu.memory_space<vmem>> -> memref<1x16x1024xi32, #tpu.memory_space<vmem>>
      %dma_wait3A_163 = tpu.memref_squeeze %dma_wait3A_162 : memref<1x16x1024xi32, #tpu.memory_space<vmem>> -> memref<16x1024xi32, #tpu.memory_space<vmem>>
      %dma_wait3A_164 = arith.constant 0 : i32
      %dma_wait3A_165 = tpu.memref_slice %arg3[%add3A_145, %dma_wait3A_164] : memref<16384x1024xi32, #tpu.memory_space<hbm>> -> memref<16x1024xi32, #tpu.memory_space<hbm>>
      %dma_wait3A_166 = arith.constant 0 : i32
      %dma_wait3A_167 = arith.constant 0 : i32
      %dma_wait3A_168 = tpu.memref_slice %arg8[%dma_wait3A_159, %dma_wait3A_166, %dma_wait3A_167] : memref<2x16x1024xi32, #tpu.memory_space<vmem>> -> memref<1x16x1024xi32, #tpu.memory_space<vmem>>
      %dma_wait3A_169 = tpu.memref_squeeze %dma_wait3A_168 : memref<1x16x1024xi32, #tpu.memory_space<vmem>> -> memref<16x1024xi32, #tpu.memory_space<vmem>>
      %dma_wait3A_170 = arith.constant 0 : i32
      %dma_wait3A_171 = tpu.memref_slice %arg3[%add3A_145, %dma_wait3A_170] : memref<16384x1024xi32, #tpu.memory_space<hbm>> -> memref<16x1024xi32, #tpu.memory_space<hbm>>
      tpu.wait_dma2 semaphore(%arg13 : memref<!tpu.dma_semaphore, #tpu.memory_space<semaphore_mem>>) src(%dma_wait3A_171 : memref<16x1024xi32, #tpu.memory_space<hbm>>) dst(%dma_wait3A_169 : memref<16x1024xi32, #tpu.memory_space<vmem>>)
      %parallel_loop3A_172 = arith.constant 0 : i32
      %parallel_loop3A_173 = arith.constant 1024 : i32
      %parallel_loop3A_174 = arith.constant 1 : i32
      %parallel_loop3A_175 = arith.constant 1 : i32
      %parallel_loop3A_176 = arith.constant 1 : i32
      %parallel_loop3A_177 = arith.constant 1 : i32
      scf.for %parallel_loop3A_195 = %parallel_loop3A_172 to %parallel_loop3A_173 step %parallel_loop3A_174  : i32 {
        %parallel_loop3A_196 = arith.constant 6 : i32
        %parallel_loop3A_197 = arith.shrui %parallel_loop3A_195, %parallel_loop3A_196 : i32
        %parallel_loop3A_198 = arith.constant 63 : i32
        %parallel_loop3A_199 = arith.andi %parallel_loop3A_195, %parallel_loop3A_198 : i32
        %parallel_loop3A_200 = arith.constant 4 : i32
        %parallel_loop3A_201 = arith.shli %parallel_loop3A_199, %parallel_loop3A_200 : i32
        %parallel_loop3A_202 = arith.constant 0 : i32
        %parallel_loop3A_203 = arith.constant 0 : i32
        %parallel_loop3A_204 = tpu.memref_slice %arg8[%parallel_loop3A_175, %parallel_loop3A_202, %parallel_loop3A_203] : memref<2x16x1024xi32, #tpu.memory_space<vmem>> -> memref<1x16x1024xi32, #tpu.memory_space<vmem>>
        %parallel_loop3A_205 = tpu.memref_squeeze %parallel_loop3A_204 : memref<1x16x1024xi32, #tpu.memory_space<vmem>> -> memref<16x1024xi32, #tpu.memory_space<vmem>>
        %parallel_loop3A_206 = arith.index_cast %parallel_loop3A_197 : i32 to index
        %parallel_loop3A_207 = arith.index_cast %parallel_loop3A_201 : i32 to index
        %parallel_loop3A_208 = tpu.vector_load %parallel_loop3A_205[%parallel_loop3A_206, %parallel_loop3A_207] {strides = array<i32>} : memref<16x1024xi32, #tpu.memory_space<vmem>>, vector<16xi32>,
        %parallel_loop3A_209 = arith.constant 1023 : i32
        %parallel_loop3A_210 = vector.broadcast %parallel_loop3A_209 : i32 to vector<16xi32>
        %parallel_loop3A_211 = arith.andi %parallel_loop3A_208, %parallel_loop3A_210 : vector<16xi32>
        %parallel_loop3A_212 = tpu.vector_load_idx %arg6[%parallel_loop3A_211] : memref<1024xf32, #tpu.memory_space<vmem>>[vector<16xi32>], vector<16xf32>,
        %parallel_loop3A_213 = arith.constant 0 : i32
        %parallel_loop3A_214 = arith.constant 0 : i32
        %parallel_loop3A_215 = tpu.memref_slice %arg7[%parallel_loop3A_176, %parallel_loop3A_213, %parallel_loop3A_214] : memref<2x16x1024xf32, #tpu.memory_space<vmem>> -> memref<1x16x1024xf32, #tpu.memory_space<vmem>>
        %parallel_loop3A_216 = tpu.memref_squeeze %parallel_loop3A_215 : memref<1x16x1024xf32, #tpu.memory_space<vmem>> -> memref<16x1024xf32, #tpu.memory_space<vmem>>
        %parallel_loop3A_217 = arith.index_cast %parallel_loop3A_197 : i32 to index
        %parallel_loop3A_218 = arith.index_cast %parallel_loop3A_201 : i32 to index
        %parallel_loop3A_219 = tpu.vector_load %parallel_loop3A_216[%parallel_loop3A_217, %parallel_loop3A_218] {strides = array<i32>} : memref<16x1024xf32, #tpu.memory_space<vmem>>, vector<16xf32>,
        %parallel_loop3A_220 = arith.cmpf ogt, %parallel_loop3A_219, %parallel_loop3A_212 : vector<16xf32>
        %parallel_loop3A_221 = arith.constant 1.000000e+00 : f32
        %parallel_loop3A_222 = arith.constant 0.000000e+00 : f32
        %parallel_loop3A_223 = vector.broadcast %parallel_loop3A_221 : f32 to vector<16xf32>
        %parallel_loop3A_224 = vector.broadcast %parallel_loop3A_222 : f32 to vector<16xf32>
        %parallel_loop3A_225 = arith.select %parallel_loop3A_220, %parallel_loop3A_223, %parallel_loop3A_224 : vector<16xi1>, vector<16xf32>
        %parallel_loop3A_226 = arith.constant 0 : i32
        %parallel_loop3A_227 = arith.constant 0 : i32
        %parallel_loop3A_228 = tpu.memref_slice %arg9[%parallel_loop3A_177, %parallel_loop3A_226, %parallel_loop3A_227] : memref<2x16x1024xf32, #tpu.memory_space<vmem>> -> memref<1x16x1024xf32, #tpu.memory_space<vmem>>
        %parallel_loop3A_229 = tpu.memref_squeeze %parallel_loop3A_228 : memref<1x16x1024xf32, #tpu.memory_space<vmem>> -> memref<16x1024xf32, #tpu.memory_space<vmem>>
        %parallel_loop3A_230 = arith.index_cast %parallel_loop3A_197 : i32 to index
        %parallel_loop3A_231 = arith.index_cast %parallel_loop3A_201 : i32 to index
        %parallel_loop3A_232 = tpu.vector_load %parallel_loop3A_229[%parallel_loop3A_230, %parallel_loop3A_231] {strides = array<i32>} : memref<16x1024xf32, #tpu.memory_space<vmem>>, vector<16xf32>,
        tpu.vector_store %parallel_loop3A_229[%parallel_loop3A_230, %parallel_loop3A_231], %parallel_loop3A_225 {strides = array<i32>} : memref<16x1024xf32, #tpu.memory_space<vmem>>, vector<16xf32>,
      } {sc.loop_unroll_factor = 16 : i64, sc.parallel_access}
      %mul3A_178 = arith.constant 16 : i32
      %mul3A_179 = arith.muli %add3A_130, %mul3A_178 : i32
      %add3A_180 = arith.addi %mul3A_2, %mul3A_179 : i32
      %dma_start3A_181 = arith.constant 1 : i32
      %dma_start3A_182 = arith.constant 0 : i32
      %dma_start3A_183 = arith.constant 0 : i32
      %dma_start3A_184 = tpu.memref_slice %arg9[%dma_start3A_181, %dma_start3A_182, %dma_start3A_183] : memref<2x16x1024xf32, #tpu.memory_space<vmem>> -> memref<1x16x1024xf32, #tpu.memory_space<vmem>>
      %dma_start3A_185 = tpu.memref_squeeze %dma_start3A_184 : memref<1x16x1024xf32, #tpu.memory_space<vmem>> -> memref<16x1024xf32, #tpu.memory_space<vmem>>
      %dma_start3A_186 = arith.constant 0 : i32
      %dma_start3A_187 = tpu.memref_slice %arg5[%add3A_180, %dma_start3A_186] : memref<16384x1024xf32, #tpu.memory_space<hbm>> -> memref<16x1024xf32, #tpu.memory_space<hbm>>
      %dma_start3A_188 = arith.constant 0 : i32
      %dma_start3A_189 = tpu.memref_slice %arg5[%add3A_180, %dma_start3A_188] : memref<16384x1024xf32, #tpu.memory_space<hbm>> -> memref<16x1024xf32, #tpu.memory_space<hbm>>
      %dma_start3A_190 = arith.constant 0 : i32
      %dma_start3A_191 = arith.constant 0 : i32
      %dma_start3A_192 = tpu.memref_slice %arg9[%dma_start3A_181, %dma_start3A_190, %dma_start3A_191] : memref<2x16x1024xf32, #tpu.memory_space<vmem>> -> memref<1x16x1024xf32, #tpu.memory_space<vmem>>
      %dma_start3A_193 = tpu.memref_squeeze %dma_start3A_192 : memref<1x16x1024xf32, #tpu.memory_space<vmem>> -> memref<16x1024xf32, #tpu.memory_space<vmem>>
      tpu.enqueue_dma source(%dma_start3A_193 : memref<16x1024xf32, #tpu.memory_space<vmem>>) target(%dma_start3A_189 : memref<16x1024xf32, #tpu.memory_space<hbm>>) target_semaphore(%arg15 : memref<!tpu.dma_semaphore, #tpu.memory_space<semaphore_mem>>)
      %scan3A_194 = arith.constant 0 : i32
      scf.yield %scan3A_194 : i32
    }
    %scan3A_35 = arith.constant 16 : i32
    %add3A_36 = arith.constant 480 : i32
    %add3A_37 = arith.addi %mul3A_2, %add3A_36 : i32
    %dma_wait3A = arith.constant 0 : i32
    %dma_wait3A_38 = arith.constant 0 : i32
    %dma_wait3A_39 = arith.constant 0 : i32
    %dma_wait3A_40 = tpu.memref_slice %arg9[%dma_wait3A, %dma_wait3A_38, %dma_wait3A_39] : memref<2x16x1024xf32, #tpu.memory_space<vmem>> -> memref<1x16x1024xf32, #tpu.memory_space<vmem>>
    %dma_wait3A_41 = tpu.memref_squeeze %dma_wait3A_40 : memref<1x16x1024xf32, #tpu.memory_space<vmem>> -> memref<16x1024xf32, #tpu.memory_space<vmem>>
    %dma_wait3A_42 = arith.constant 0 : i32
    %dma_wait3A_43 = tpu.memref_slice %arg5[%add3A_37, %dma_wait3A_42] : memref<16384x1024xf32, #tpu.memory_space<hbm>> -> memref<16x1024xf32, #tpu.memory_space<hbm>>
    %dma_wait3A_44 = arith.constant 0 : i32
    %dma_wait3A_45 = tpu.memref_slice %arg5[%add3A_37, %dma_wait3A_44] : memref<16384x1024xf32, #tpu.memory_space<hbm>> -> memref<16x1024xf32, #tpu.memory_space<hbm>>
    %dma_wait3A_46 = arith.constant 0 : i32
    %dma_wait3A_47 = arith.constant 0 : i32
    %dma_wait3A_48 = tpu.memref_slice %arg9[%dma_wait3A, %dma_wait3A_46, %dma_wait3A_47] : memref<2x16x1024xf32, #tpu.memory_space<vmem>> -> memref<1x16x1024xf32, #tpu.memory_space<vmem>>
    %dma_wait3A_49 = tpu.memref_squeeze %dma_wait3A_48 : memref<1x16x1024xf32, #tpu.memory_space<vmem>> -> memref<16x1024xf32, #tpu.memory_space<vmem>>
    tpu.wait_dma2 semaphore(%arg14 : memref<!tpu.dma_semaphore, #tpu.memory_space<semaphore_mem>>) src(%dma_wait3A_49 : memref<16x1024xf32, #tpu.memory_space<vmem>>) dst(%dma_wait3A_45 : memref<16x1024xf32, #tpu.memory_space<hbm>>)
    %add3A_50 = arith.constant 496 : i32
    %add3A_51 = arith.addi %mul3A_2, %add3A_50 : i32
    %dma_wait3A_52 = arith.constant 1 : i32
    %dma_wait3A_53 = arith.constant 0 : i32
    %dma_wait3A_54 = arith.constant 0 : i32
    %dma_wait3A_55 = tpu.memref_slice %arg9[%dma_wait3A_52, %dma_wait3A_53, %dma_wait3A_54] : memref<2x16x1024xf32, #tpu.memory_space<vmem>> -> memref<1x16x1024xf32, #tpu.memory_space<vmem>>
    %dma_wait3A_56 = tpu.memref_squeeze %dma_wait3A_55 : memref<1x16x1024xf32, #tpu.memory_space<vmem>> -> memref<16x1024xf32, #tpu.memory_space<vmem>>
    %dma_wait3A_57 = arith.constant 0 : i32
    %dma_wait3A_58 = tpu.memref_slice %arg5[%add3A_51, %dma_wait3A_57] : memref<16384x1024xf32, #tpu.memory_space<hbm>> -> memref<16x1024xf32, #tpu.memory_space<hbm>>
    %dma_wait3A_59 = arith.constant 0 : i32
    %dma_wait3A_60 = tpu.memref_slice %arg5[%add3A_51, %dma_wait3A_59] : memref<16384x1024xf32, #tpu.memory_space<hbm>> -> memref<16x1024xf32, #tpu.memory_space<hbm>>
    %dma_wait3A_61 = arith.constant 0 : i32
    %dma_wait3A_62 = arith.constant 0 : i32
    %dma_wait3A_63 = tpu.memref_slice %arg9[%dma_wait3A_52, %dma_wait3A_61, %dma_wait3A_62] : memref<2x16x1024xf32, #tpu.memory_space<vmem>> -> memref<1x16x1024xf32, #tpu.memory_space<vmem>>
    %dma_wait3A_64 = tpu.memref_squeeze %dma_wait3A_63 : memref<1x16x1024xf32, #tpu.memory_space<vmem>> -> memref<16x1024xf32, #tpu.memory_space<vmem>>
    tpu.wait_dma2 semaphore(%arg15 : memref<!tpu.dma_semaphore, #tpu.memory_space<semaphore_mem>>) src(%dma_wait3A_64 : memref<16x1024xf32, #tpu.memory_space<vmem>>) dst(%dma_wait3A_60 : memref<16x1024xf32, #tpu.memory_space<hbm>>)
    return
  }
}

</mosaic_0001>

<sc_bundles>
// kernel: kernel.3.cloned.1.call-start
scs
__scs_entry_jumppad:
0x0: {  	(pc) =	sbr.rel $0x88, $3  }
0x1: {  	(tag) =	ssettag $0x0;
	lr =	simm.s32 $0x1  }
0x2: {  	[smem:$0x3F9E] =	sst lr;
	_ =	strace $0xD0000000  }
0x3: {  	_ = 	snop  }
0x4: {  	_ = 	snop  }
0x5: {  	_ = 	snop  }
0x6: {  	_ = 	snop  }
0x7: {  	_ = 	snop  }
__scs_overlays_trampoline_lowered:
0x8: {  	[smem:$0x3FAD] =	sst s0  }
0x9: {  	[smem:$0x3FAE] =	sst s1  }
0xa: {  	[smem:$0x3FAF] =	sst s2  }
0xb: {  	[smem:$0x3FB0] =	sst s3  }
0xc: {  	[smem:$0x3FB1] =	sst s4  }
0xd: {  	[smem:$0x3FB2] =	sst s5  }
0xe: {  	[smem:$0x3FB3] =	sst s6  }
0xf: {  	[smem:$0x3FB4] =	sst s7  }
0x10: {  	[smem:$0x3FB5] =	sst s8  }
0x11: {  	[smem:$0x3FB6] =	sst s9;
	s0 =	simm.s32 @!p0 $0x0  }
0x12: {  	s1 =	sld [smem:$0x3F9C];
	s0 =	simm.s32 @p0 $0x1  }
0x13: {  	[smem:$0x3FB7] =	sst s0;
	s0 =	simm.s32 @!p1 $0x0  }
0x14: {  	s2 =	sld [smem:$0x3F9B];
	s0 =	simm.s32 @p1 $0x1  }
0x15: {  	[smem:$0x3FB8] =	sst s0;
	s0 =	simm.s32 @!p2 $0x0  }
0x16: {  	s3 =	sld [smem:$0x3FDB];
	s0 =	simm.s32 @p2 $0x1  }
0x17: {  	s4 =	simm.s32 $0x1BF5;
	[smem:$0x3FBA] =	sst s0  }
0x18: {  	s0 =	sld [smem:$0x3F9D];
	_ =	swait.ge [sflag:s4], $0x0  }
0x19: {  	s7 =	sld [smem:$0x3F9E]  }
0x1a: {  	s8 =	sadd.s32 $0xFFFFE003, lr  }
0x1b: {  	s9 =	sadd.s32 $0xFFFFFEF7, lr;
	s5 =	simm.s32 $0xFFFFFFFF;
	p2 =	slt.u32 s8, $0xFFFFF086  }
0x1c: {  	p1 =	slt.u32 s9, $0xF7A;
	s5 =	simm.s32 @!p2 $0x0  }
0x1d: {  	s5 =	simm.s32 @p1 $0x1;
	p0 =	seq.s32 s7, s2  }
0x1e: {  	s7 =	smul.u32 @!p0 $0xF7A, s2;
	p2 =	seq.s32 @!p0 s5, $0x0  }
0x1f: {  	s9 =	smul.u32 $0xF7A, s1;
	s8 =	simm.s32 @!p0 $0x1BF5;
	p2 =	por !p2, p0  }
0x20: {  	[sflag:s8] =	ssyncset.s32 @!p0 $0xFFFFF086;
	s6 =	sadd.s32 @!p0 s3, s7;
	s7 =	simm.s32 @!p0 $0x108  }
0x21: {  	s3 =	sadd.s32 s3, s9;
	s6 =	sadd.s32 @!p0 $0x88, s6;
	s7 =	simm.s32 @p2 $0x1082  }
0x22: {  	[simem:s7], [sflag:s8] =	dma.local @!p0 [hbm:s6], $0xF7A  }
0x23: {  	s9 =	sor.u32 $0xD0000000, s2;
	s6 =	simm.s32 $0x108;
	_ =	swait.ge @!p0 [sflag:s8], $0x0  }
0x24: {  	s3 =	sadd.s32 $0x88, s3;
	s6 =	simm.s32 @!p1 $0x1082;
	[sflag:s4] =	ssyncset.s32 $0xFFFFF086  }
0x25: {  	[simem:s6], [sflag:s4] =	dma.local [hbm:s3], $0xF7A  }
0x26: {  	[smem:$0x3F9E] =	sst s1;
	(tag) =	ssettag s2;
	_ =	strace s9  }
0x27: {  	s1 =	sld [smem:$0x3FAE]  }
0x28: {  	s2 =	sld [smem:$0x3FAF]  }
0x29: {  	s4 =	sld [smem:$0x3FB1]  }
0x2a: {  	p0 =	seq.s32 s5, $0x0;
	s5 =	sld [smem:$0x3FB2]  }
0x2b: {  	s6 =	sld [smem:$0x3FB3]  }
0x2c: {  	s7 =	sld [smem:$0x3FB4]  }
0x2d: {  	s3 =	simm.s32 $0x108;
	s8 =	sld [smem:$0x3FB5]  }
0x2e: {  	s3 =	simm.s32 @!p0 $0x1082;
	s9 =	sld [smem:$0x3FB6]  }
0x2f: {  	lr =	sadd.s32 s0, s3;
	s0 =	sld [smem:$0x3FAD]  }
0x30: {  	s3 =	sld [smem:$0x3FB0]  }
0x31: {  	[smem:$0x3FB9] =	sst s10  }
0x32: {  	s10 =	sld [smem:$0x3FB7];
	_ =	sdelay $0x3  }
0x33: {  	p0 =	seq.s32 s10, $0x1;
	s10 =	sld [smem:$0x3FB9];
	_ =	sdelay $0x3  }
0x34: {  	[smem:$0x3FB9] =	sst s10  }
0x35: {  	s10 =	sld [smem:$0x3FB8];
	_ =	sdelay $0x3  }
0x36: {  	p1 =	seq.s32 s10, $0x1;
	s10 =	sld [smem:$0x3FB9];
	_ =	sdelay $0x3  }
0x37: {  	[smem:$0x3FB9] =	sst s10  }
0x38: {  	s10 =	sld [smem:$0x3FBA]  }
0x39: {  	_ = 	snop;
	(pc) =	sbr.ind lr, $3  }
0x3a: {  	_ = 	snop  }
0x3b: {  	_ = 	snop  }
0x3c: {  	p2 =	seq.s32 s10, $0x1;
	s10 =	sld [smem:$0x3FB9]  }
0x3d: {  	_ =	shalt  }
0x3e: {  	_ =	shalt  }
0x3f: {  	_ =	shalt  }
0x40: {  	_ =	shalt  }
0x41: {  	_ =	shalt  }
0x42: {  	_ =	shalt  }
0x43: {  	_ =	shalt  }
0x44: {  	_ =	shalt  }
0x45: {  	_ =	shalt  }
0x46: {  	_ =	shalt  }
0x47: {  	_ =	shalt  }
0x48: {  	_ =	shalt  }
0x49: {  	_ =	shalt  }
0x4a: {  	_ =	shalt  }
0x4b: {  	_ =	shalt  }
0x4c: {  	_ =	shalt  }
0x4d: {  	_ =	shalt  }
0x4e: {  	_ =	shalt  }
0x4f: {  	_ =	shalt  }
0x50: {  	_ =	shalt  }
0x51: {  	_ =	shalt  }
0x52: {  	_ =	shalt  }
0x53: {  	_ =	shalt  }
0x54: {  	_ =	shalt  }
0x55: {  	_ =	shalt  }
0x56: {  	_ =	shalt  }
0x57: {  	_ =	shalt  }
0x58: {  	_ =	shalt  }
0x59: {  	_ =	shalt  }
0x5a: {  	_ =	shalt  }
0x5b: {  	_ =	shalt  }
0x5c: {  	_ =	shalt  }
0x5d: {  	_ =	shalt  }
0x5e: {  	_ =	shalt  }
0x5f: {  	_ =	shalt  }
0x60: {  	_ =	shalt  }
0x61: {  	_ =	shalt  }
0x62: {  	_ =	shalt  }
0x63: {  	_ =	shalt  }
0x64: {  	_ =	shalt  }
0x65: {  	_ =	shalt  }
0x66: {  	_ =	shalt  }
0x67: {  	_ =	shalt  }
0x68: {  	_ =	shalt  }
0x69: {  	_ =	shalt  }
0x6a: {  	_ =	shalt  }
0x6b: {  	_ =	shalt  }
0x6c: {  	_ =	shalt  }
0x6d: {  	_ =	shalt  }
0x6e: {  	_ =	shalt  }
0x6f: {  	_ =	shalt  }
0x70: {  	_ =	shalt  }
0x71: {  	_ =	shalt  }
0x72: {  	_ =	shalt  }
0x73: {  	_ =	shalt  }
0x74: {  	_ =	shalt  }
0x75: {  	_ =	shalt  }
0x76: {  	_ =	shalt  }
0x77: {  	_ =	shalt  }
0x78: {  	_ =	shalt  }
0x79: {  	_ =	shalt  }
0x7a: {  	_ =	shalt  }
0x7b: {  	_ =	shalt  }
0x7c: {  	_ =	shalt  }
0x7d: {  	_ =	shalt  }
0x7e: {  	_ =	shalt  }
0x7f: {  	_ =	shalt  }
0x80: {  	_ =	shalt  }
0x81: {  	_ =	shalt  }
0x82: {  	_ =	shalt  }
0x83: {  	_ =	shalt  }
0x84: {  	_ =	shalt  }
0x85: {  	_ =	shalt  }
0x86: {  	_ =	shalt  }
0x87: {  	_ =	shalt  }
.Lfunc_end0:
.L_simem_size_0:
called_computation_lowered:
.L_overlay_start_0:
0x88: {  	s2 =	sld [smem:$0x3FD9]  }
0x89: {  	s3 =	sld [smem:$0x3FFE];
	_ =	sdelay $0x1  }
0x8a: {  	s1 =	srdreg.scid  }
0x8b: {  	s0 =	sand.u32 $0x1, s1  }
0x8c: {  	s18 =	sshll.u32 s0, $0xA;
	s2 =	sadd.s32 s3, s2  }
0x8d: {  	s2 =	sadd.s32 s2, s18  }
0x8e: {  	[smem:$0x3FC5] =	sst s2  }
0x8f: {  	_ = 	snop  }
0x90: {  	s2 =	sld [smem:$0x3FC9]  }
0x91: {  	s19 =	sld [smem:$0x3FC8]  }
0x92: {  	s4 =	sld [smem:$0x3FC7]  }
0x93: {  	s5 =	sld [smem:$0x3FD0];
	(tm) =	ssettm $0x1  }
0x94: {  	s6 =	sld [smem:$0x3FFB];
	_ =	sdelay $0x3  }
0x95: {  	_ =	strace s6  }
0x96: {  	s6 =	sld [smem:$0x3FFC];
	_ =	sdelay $0x3  }
0x97: {  	_ =	strace s6  }
0x98: {  	s6 =	sld [smem:$0x3FFD];
	_ =	sdelay $0x3  }
0x99: {  	_ =	strace s6  }
0x9a: {  	_ =	strace $0x8FFFFFFF  }
0x9b: {  	s20 =	sld [smem:$0x3FDB];
	_ =	sdelay $0x1  }
0x9c: {  	s7 =	simm.s32 $_scs_section_size  }
0x9d: {  	s8 =	simm.s32 $_size__tile_overlayer_lowered;
	s9 =	simm.s32 $_tile_overlayer_lowered  }
0x9e: {  	s23 =	simm.s32 $0x1BFF;
	s22 =	sshll.u32 s9, $0x1;
	s6 =	sadd.s32 s7, s20  }
0x9f: {  	s10 =	simm.s32 $0x0;
	s21 =	sshll.u32 s8, $0x1;
	s8 =	sadd.s32 s22, s6  }
0xa0: {  	[timem:s10], [sflag:s23] =	dma.local [hbm:s8], s21  }
0xa1: {  	_ =	swait.ge [sflag:s23], s21  }
0xa2: {  	s7 =	ssub.s32 $0x0, s21;
	[sflag:s23] =	ssyncset.done $0x0  }
0xa3: {  	[sflag:s23] =	ssyncadd.s32 s7;
	_ =	sdelay $0x1  }
0xa4: {  	s24 =	simm.s32 $0x1B8B  }
0xa5: {  	_ =	swait.ge [sflag:s24], $0x1  }
0xa6: {  	[sflag:s24] =	ssyncset.done $0x0  }
0xa7: {  	s25 =	simm.s32 $0x1B8E;
	[sflag:s24] =	ssyncadd.s32 $0xFFFFFFFF  }
0xa8: {  	s26 =	simm.s32 $execute0_lowered;
	[smem:$0x3FD2] =	sst s25  }
0xa9: {  	s7 =	sshll.u32 s26, $0x1;
	_ =	strace $0x80000046;
	[dreg:$0x1] =	wrdreg $0xFFFFFFFF  }
0xaa: {  	s28 =	simm.s32 $_size_execute0_lowered;
	s6 =	sadd.s32 s6, s7;
	[dreg:$0x0] =	wrdreg $0x0  }
0xab: {  	s7 =	sshll.u32 s28, $0x1;
	[dreg:$0x2] =	wrdreg s6  }
0xac: {  	[dreg:$0x3] =	wrdreg s7  }
0xad: {  	[dreg:$0x4] =	wrdreg $0xC0  }
0xae: {  	_ =	task [dreg:s10], $0x5FFFF  }
0xaf: {  	[dreg:$0x1] =	wrdreg $0xFFFFFFFF  }
0xb0: {  	[dreg:$0x0] =	wrdreg $0x60  }
0xb1: {  	[dreg:$0x2] =	wrdreg s2  }
0xb2: {  	[dreg:$0x3] =	wrdreg s4  }
0xb3: {  	[dreg:$0x4] =	wrdreg s19  }
0xb4: {  	[dreg:$0x5] =	wrdreg s5  }
0xb5: {  	[dreg:$0x6] =	wrdreg $0x9  }
0xb6: {  	_ =	task.clear_ibuf [dreg:s10], $0x7FFFF;
	_ =	strace $0x90000046  }
0xb7: {  	s29 =	simm.s32 $0x9;
	_ =	strace $0x80000048  }
0xb8: {  	_ =	swait.ge [sflag:s29], $0x1  }
0xb9: {  	[sflag:s29] =	ssyncadd.s32 $0xFFFFFFFF  }
0xba: {  	_ =	strace $0x90000048  }
0xbb: {  	_ =	sfence  }
0xbc: {  	s30 =	sld [smem:$0x0];
	_ =	sdelay $0x2  }
0xbd: {  	s31 =	sshll.u32 s1, $0xD;
	s1 =	sshrl.u32 s1, $0x2  }
0xbe: {  	s3 =	sand.u32 $0x4000, s31;
	s1 =	sadd.s32 s1, s30  }
0xbf: {  	s0 =	sor.u32 s3, s0;
	s1 =	sshll.u32 s1, $0x11  }
0xc0: {  	s0 =	sor.u32 s1, s0  }
0xc1: {  	s0 =	sadd.s32 $0x8F2B, s0  }
0xc2: {  	[sflag:s0] =	ssyncadd.remote.s32 $0x1  }
0xc3: {  	_ =	sfence.sel $0xFFFF  }
0xc4: {  	[dreg:$0x0] =	wrdreg $0xFFFFFFFF;
	(pc) =	sbr.abs _section_cstart, $3  }
0xc5: {  	[dreg:$0x1] =	wrdreg $0xFFFFFFFF  }
0xc6: {  	_ =	task.clear_ibuf [dreg:s10], $0x2FFFF;
	_ =	strace $0x9FFFFFFF  }
0xc7: {  	(tm) =	ssettm $0x7FFFFFFF  }
tec
execute0_lowered:
.L_overlay_start_1:
0x0: {  	(tag) =	ssettag $0x1  }
0x1: {  	s1 =	rddreg [dreg:$0x0]  }
0x2: {  	s2 =	rddreg [dreg:$0x1]  }
0x3: {  	s4 =	rddreg [dreg:$0x3];
	s6 =	simm.s32 $0x0  }
0x4: {  	s0 =	srdreg.scid;
	s5 =	stileid.u32;
	s15 =	simm.s32 $0x7  }
0x5: {  	s16 =	simm.s32 $0x4400;
	s17 =	simm.s32 $0xC400;
	s18 =	simm.s32 $0x1  }
0x6: {  	s19 =	simm.s32 $0x3;
	s20 =	simm.s32 $0x10400;
	s21 =	simm.s32 $0x2  }
0x7: {  	s22 =	simm.s32 $0x4;
	s23 =	simm.s32 $0x14400;
	s24 =	simm.s32 $0x5  }
0x8: {  	s25 =	simm.s32 $0x6;
	s26 =	simm.s32 $0x0;
	s0 =	sand.u32 $0x1, s0  }
0x9: {  	s5 =	sshll.u32 s5, $0x11;
	s3 =	ssub.s32 $0x2, s0;
	s0 =	sshll.u32 s0, $0x10  }
0xa: {  	[smem:$0x7FF] =	sst s6;
	s7 =	sshrl.u32 s3, $0x1;
	s0 =	sor.u32 s0, s5  }
0xb: {  	_ =	strace $0x80000047;
	s3 =	ssub.s32 s3, s7;
	s5 =	sadd.s32 s1, s0  }
0xc: {  	s8 =	sadd.s32 s2, s0;
	s9 =	sor.u32 $0x800, s0;
	s10 =	sadd.s32 s4, s0  }
0xd: {  	v0 =	vimm.f32 $0.0e+00;
	s11 =	sor.u32 $0x1000, s0;
	[dreg:$0x5] =	wrdreg s5;
	s12 =	smax.u32 s3, $0x1  }
.LBB2_1:
0xe: {  	s0 =	rddreg [dreg:$0x5];
	s3 =	simm.s32 $0x400  }
0xf: {  	[tilespmem:s3], [sflag:$0x1] =	stream.linear.gather [hbm4b:s0+s6], $0x4000, $0x38;
	[tilespmem:$0x18400] =	vst v63  }
0x10: {  	s30 =	simm.s32 $0x8400  }
0x11: {  	[tilespmem:s30], [sflag:$0x3] =	stream.linear.gather [hbm4b:s8+s6], $0x4000, $0x38;
	[tilespmem:$0x18400] =	vst v63  }
0x12: {  	s31 =	rddreg [dreg:$0x2]  }
0x13: {  	[tilespmem:s6], [sflag:$0x7] =	stream.linear.gather [hbm4b:s31+s6], $0x400, $0x38;
	[tilespmem:$0x18400] =	vst v63  }
0x14: {  	_ =	swait.ge [sflag:s15], $0x400  }
0x15: {  	[sflag:s15] =	ssyncset.done $0x0  }
0x16: {  	s28 =	simm.s32 $0x0;
	[sflag:s15] =	ssyncadd.s32 $0xFFFFFC00  }
.LBB2_2:
0x17: {  	s30 =	sshll.u32 s28, $0xC  }
0x18: {  	s29 =	sadd.s32 s9, s30  }
0x19: {  	p0 =	seq.s32 s28, $0x0;
	s0 =	sadd.s32 s1, s29  }
0x1a: {  	[tilespmem:s16], [sflag:$0x2] =	stream.linear.gather [hbm4b:s0+s6], $0x4000, $0x38;
	[tilespmem:$0x18400] =	vst v63  }
0x1b: {  	s13 =	sadd.s32 s2, s29;
	s0 =	simm.s32 @!p0 $0x5  }
0x1c: {  	[tilespmem:s17], [sflag:$0x4] =	stream.linear.gather [hbm4b:s13+s6], $0x4000, $0x38;
	[tilespmem:$0x18400] =	vst v63  }
0x1d: {  	_ =	swait.ge @!p0 [sflag:s0], $0x4000  }
0x1e: {  	[sflag:s0] =	ssyncset.done @!p0 $0x0  }
0x1f: {  	[sflag:s0] =	ssyncadd.s32 @!p0 $0xFFFFC000  }
0x20: {  	_ =	swait.ge [sflag:s18], $0x4000  }
0x21: {  	[sflag:s18] =	ssyncset.done $0x0  }
0x22: {  	s14 =	simm.s32 $0x0;
	[sflag:s18] =	ssyncadd.s32 $0xFFFFC000  }
0x23: {  	s3 =	sand.u32 $0x2000, s14;
	s5 =	sand.u32 $0x1800, s14;
	_ =	swait.ge [sflag:s19], $0x4000  }
0x24: {  	s3 =	sor.u32 s5, s3;
	s0 =	sand.u32 $0x380, s14;
	[sflag:s19] =	ssyncset.done $0x0  }
0x25: {  	s31 =	sor.u32 s0, s3;
	[sflag:s19] =	ssyncadd.s32 $0xFFFFC000  }
0x26: {  	v1 =	vld [tilespmem:s31+$0x8870]  }
0x27: {  	v2 =	vld [tilespmem:s31+$0x8400]  }
0x28: {  	v3 =	vld [tilespmem:s31+$0x8410]  }
0x29: {  	v4 =	vld [tilespmem:s31+$0x8420]  }
0x2a: {  	v5 =	vld [tilespmem:s31+$0x8430]  }
0x2b: {  	v6 =	vld [tilespmem:s31+$0x8440]  }
0x2c: {  	v7 =	vld [tilespmem:s31+$0x8450]  }
0x2d: {  	v8 =	vld [tilespmem:s31+$0x8460]  }
0x2e: {  	v9 =	vld [tilespmem:s31+$0x8470]  }
0x2f: {  	v10 =	vld [tilespmem:s31+$0x8800]  }
0x30: {  	v12 =	vld [tilespmem:s31+$0x870]  }
0x31: {  	v13 =	vld [tilespmem:s31+$0x8820]  }
0x32: {  	v14 =	vld [tilespmem:s31+$0x8830];
	v1 =	vand.u32 $0x3FF, v1  }
0x33: {  	v15 =	vld [tilespmem:s31+$0x8840]  }
0x34: {  	v16 =	vld [tilespmem:s31+$0x8850];
	v2 =	vand.u32 $0x3FF, v2  }
0x35: {  	v17 =	vld [tilespmem:s31+$0x8860];
	v3 =	vand.u32 $0x3FF, v3  }
0x36: {  	v61 =	vld [tilespmem:s31+$0x430];
	v4 =	vand.u32 $0x3FF, v4  }
0x37: {  	v5 =	vand.u32 $0x3FF, v5;
	v11 =	vld.idx.msk [tilespmem:v1+s6+$0x0], $0xffff  }
0x38: {  	v6 =	vand.u32 $0x3FF, v6;
	v1 =	vld [tilespmem:s31+$0x8810]  }
0x39: {  	v7 =	vand.u32 $0x3FF, v7;
	v18 =	vld.idx.msk [tilespmem:v2+s6+$0x0], $0xffff  }
0x3a: {  	v2 =	vand.u32 $0x3FF, v8;
	v19 =	vld.idx.msk [tilespmem:v3+s6+$0x0], $0xffff  }
0x3b: {  	v3 =	vand.u32 $0x3FF, v9;
	v9 =	vld.idx.msk [tilespmem:v4+s6+$0x0], $0xffff  }
0x3c: {  	v4 =	vand.u32 $0x3FF, v10;
	v10 =	vld.idx.msk [tilespmem:v5+s6+$0x0], $0xffff  }
0x3d: {  	v20 =	vld.idx.msk [tilespmem:v6+s6+$0x0], $0xffff;
	v5 =	vand.u32 $0x3FF, v13;
	v13 =	vand.u32 $0x3FF, v14  }
0x3e: {  	v21 =	vld.idx.msk [tilespmem:v7+s6+$0x0], $0xffff  }
0x3f: {  	v1 =	vand.u32 $0x3FF, v1;
	v22 =	vld.idx.msk [tilespmem:v2+s6+$0x0], $0xffff  }
0x40: {  	v2 =	vand.u32 $0x3FF, v15;
	v8 =	vld.idx.msk [tilespmem:v3+s6+$0x0], $0xffff  }
0x41: {  	v14 =	vand.u32 $0x3FF, v16;
	v7 =	vld.idx.msk [tilespmem:v4+s6+$0x0], $0xffff  }
0x42: {  	v15 =	vand.u32 $0x3FF, v17;
	v4 =	vld.idx.msk [tilespmem:v13+s6+$0x0], $0xffff  }
0x43: {  	v13 =	vld [tilespmem:s31+$0x400]  }
0x44: {  	v6 =	vld.idx.msk [tilespmem:v1+s6+$0x0], $0xffff  }
0x45: {  	v3 =	vld.idx.msk [tilespmem:v2+s6+$0x0], $0xffff  }
0x46: {  	v2 =	vld.idx.msk [tilespmem:v14+s6+$0x0], $0xffff  }
0x47: {  	v1 =	vld.idx.msk [tilespmem:v15+s6+$0x0], $0xffff  }
0x48: {  	v14 =	vld [tilespmem:s31+$0x410]  }
0x49: {  	v15 =	vld [tilespmem:s31+$0x420]  }
0x4a: {  	v62 =	vld [tilespmem:s31+$0x450]  }
0x4b: {  	vm0 =	vgt.f32 v12, v11;
	v12 =	vld [tilespmem:s31+$0x440]  }
0x4c: {  	v63 =	vld [tilespmem:s31+$0x460];
	v11 =	vsel vm0, $0x3F800000, v0;
	vm0 =	vgt.f32 v13, v18  }
0x4d: {  	v5 =	vld.idx.msk [tilespmem:v5+s6+$0x0], $0xffff;
	[tilespmem:s31+$0x10870] =	vst v11;
	v11 =	vsel vm0, $0x3F800000, v0;
	vm0 =	vgt.f32 v14, v19  }
0x4e: {  	v13 =	vld [tilespmem:s31+$0x470];
	[tilespmem:s31+$0x10400] =	vst v11;
	v11 =	vsel vm0, $0x3F800000, v0;
	vm0 =	vgt.f32 v15, v9  }
0x4f: {  	[tilespmem:s31+$0x10410] =	vst v11;
	v9 =	vsel vm0, $0x3F800000, v0;
	vm0 =	vgt.f32 v61, v10;
	v11 =	vld [tilespmem:s31+$0x800]  }
0x50: {  	[tilespmem:s31+$0x10420] =	vst v9;
	v10 =	vsel vm0, $0x3F800000, v0;
	vm0 =	vgt.f32 v12, v20;
	v9 =	vld [tilespmem:s31+$0x810]  }
0x51: {  	s5 =	simm.s32 $0x20;
	[tilespmem:s31+$0x10430] =	vst v10;
	v12 =	vsel vm0, $0x3F800000, v0;
	vm0 =	vgt.f32 v62, v21;
	v10 =	vld [tilespmem:s31+$0x820]  }
0x52: {  	s13 =	simm.s32 $0x100;
	s0 =	simm.s32 $0x0;
	s3 =	simm.s32 $0x800;
	[tilespmem:s31+$0x10440] =	vst v12;
	v14 =	vsel vm0, $0x3F800000, v0;
	vm0 =	vgt.f32 v63, v22;
	v12 =	vld [tilespmem:s31+$0x830]  }
.LBB2_3:
0x53: {  	s14 =	sand.u32 $0x2000, s13;
	s7 =	sand.u32 $0x1800, s3;
	s0 =	sadd.s32 $0x10, s0;
	[tilespmem:s31+$0x10450] =	vst v14;
	v14 =	vsel vm0, $0x3F800000, v0;
	vm0 =	vgt.f32 v13, v8;
	v8 =	vld [tilespmem:s31+$0x840]  }
0x54: {  	s7 =	sor.u32 s7, s14;
	s14 =	sand.u32 $0x380, s5;
	p0 =	slt.u32 s0, $0x3F0;
	[tilespmem:s31+$0x10460] =	vst v14;
	v13 =	vsel vm0, $0x3F800000, v0;
	vm0 =	vgt.f32 v11, v7;
	v7 =	vld [tilespmem:s31+$0x850]  }
0x55: {  	s7 =	sor.u32 s14, s7;
	[tilespmem:s31+$0x10470] =	vst v13;
	v11 =	vsel vm0, $0x3F800000, v0;
	vm0 =	vgt.f32 v9, v6;
	v6 =	vld [tilespmem:s31+$0x860]  }
0x56: {  	v9 =	vld [tilespmem:s7+$0x8870];
	[tilespmem:s31+$0x10800] =	vst v11;
	v11 =	vsel vm0, $0x3F800000, v0;
	vm0 =	vgt.f32 v10, v5  }
0x57: {  	v5 =	vld [tilespmem:s7+$0x8400];
	[tilespmem:s31+$0x10810] =	vst v11;
	v10 =	vsel vm0, $0x3F800000, v0;
	vm0 =	vgt.f32 v12, v4  }
0x58: {  	v4 =	vld [tilespmem:s7+$0x8410];
	[tilespmem:s31+$0x10820] =	vst v10;
	v10 =	vsel vm0, $0x3F800000, v0;
	vm0 =	vgt.f32 v8, v3  }
0x59: {  	v3 =	vld [tilespmem:s7+$0x8420];
	[tilespmem:s31+$0x10830] =	vst v10;
	v8 =	vsel vm0, $0x3F800000, v0;
	vm0 =	vgt.f32 v7, v2  }
0x5a: {  	v2 =	vld [tilespmem:s7+$0x8430];
	[tilespmem:s31+$0x10840] =	vst v8;
	v7 =	vsel vm0, $0x3F800000, v0;
	vm0 =	vgt.f32 v6, v1  }
0x5b: {  	v1 =	vld [tilespmem:s7+$0x8440];
	v6 =	vand.u32 $0x3FF, v9;
	[tilespmem:s31+$0x10850] =	vst v7;
	v7 =	vsel vm0, $0x3F800000, v0  }
0x5c: {  	v5 =	vand.u32 $0x3FF, v5;
	v8 =	vld [tilespmem:s7+$0x8450];
	[tilespmem:s31+$0x10860] =	vst v7;
	s31 =	smov.u32 s7  }
0x5d: {  	v4 =	vand.u32 $0x3FF, v4;
	v7 =	vld [tilespmem:s31+$0x8460]  }
0x5e: {  	v3 =	vand.u32 $0x3FF, v3;
	v9 =	vld [tilespmem:s31+$0x8470]  }
0x5f: {  	v2 =	vand.u32 $0x3FF, v2;
	v10 =	vld [tilespmem:s31+$0x8800]  }
0x60: {  	v1 =	vand.u32 $0x3FF, v1;
	v6 =	vld.idx.msk [tilespmem:v6+s6+$0x0], $0xffff  }
0x61: {  	v8 =	vand.u32 $0x3FF, v8;
	v11 =	vld [tilespmem:s31+$0x870]  }
0x62: {  	v7 =	vand.u32 $0x3FF, v7;
	v12 =	vld [tilespmem:s31+$0x8810]  }
0x63: {  	v9 =	vand.u32 $0x3FF, v9;
	v13 =	vld [tilespmem:s31+$0x8820]  }
0x64: {  	v10 =	vand.u32 $0x3FF, v10;
	v14 =	vld [tilespmem:s31+$0x8830]  }
0x65: {  	v15 =	vld [tilespmem:s31+$0x8840]  }
0x66: {  	v16 =	vld [tilespmem:s31+$0x8850];
	vm0 =	vgt.f32 v11, v6  }
0x67: {  	v6 =	vand.u32 $0x3FF, v12;
	v11 =	vld [tilespmem:s31+$0x8860];
	v12 =	vsel vm0, $0x3F800000, v0  }
0x68: {  	v17 =	vld.idx.msk [tilespmem:v5+s6+$0x0], $0xffff;
	v5 =	vand.u32 $0x3FF, v13;
	[tilespmem:s31+$0x10870] =	vst v12  }
0x69: {  	v12 =	vld.idx.msk [tilespmem:v4+s6+$0x0], $0xffff;
	v4 =	vand.u32 $0x3FF, v14  }
0x6a: {  	v13 =	vld.idx.msk [tilespmem:v3+s6+$0x0], $0xffff;
	v3 =	vand.u32 $0x3FF, v15  }
0x6b: {  	v14 =	vld.idx.msk [tilespmem:v2+s6+$0x0], $0xffff;
	v2 =	vand.u32 $0x3FF, v16  }
0x6c: {  	v15 =	vld.idx.msk [tilespmem:v1+s6+$0x0], $0xffff;
	v1 =	vand.u32 $0x3FF, v11  }
0x6d: {  	v16 =	vld.idx.msk [tilespmem:v8+s6+$0x0], $0xffff  }
0x6e: {  	v18 =	vld.idx.msk [tilespmem:v7+s6+$0x0], $0xffff  }
0x6f: {  	v8 =	vld.idx.msk [tilespmem:v9+s6+$0x0], $0xffff  }
0x70: {  	v7 =	vld.idx.msk [tilespmem:v10+s6+$0x0], $0xffff  }
0x71: {  	v6 =	vld.idx.msk [tilespmem:v6+s6+$0x0], $0xffff  }
0x72: {  	v5 =	vld.idx.msk [tilespmem:v5+s6+$0x0], $0xffff  }
0x73: {  	v4 =	vld.idx.msk [tilespmem:v4+s6+$0x0], $0xffff  }
0x74: {  	v3 =	vld.idx.msk [tilespmem:v3+s6+$0x0], $0xffff  }
0x75: {  	v2 =	vld.idx.msk [tilespmem:v2+s6+$0x0], $0xffff  }
0x76: {  	v1 =	vld.idx.msk [tilespmem:v1+s6+$0x0], $0xffff  }
0x77: {  	v9 =	vld [tilespmem:s31+$0x400]  }
0x78: {  	v10 =	vld [tilespmem:s31+$0x410]  }
0x79: {  	v11 =	vld [tilespmem:s31+$0x420]  }
0x7a: {  	v19 =	vld [tilespmem:s31+$0x430]  }
0x7b: {  	v20 =	vld [tilespmem:s31+$0x440]  }
0x7c: {  	vm0 =	vgt.f32 v9, v17;
	v17 =	vld [tilespmem:s31+$0x450]  }
0x7d: {  	v9 =	vsel vm0, $0x3F800000, v0;
	vm0 =	vgt.f32 v10, v12;
	v12 =	vld [tilespmem:s31+$0x460]  }
.Ltmp0:
0x7e: {  	[tilespmem:s31+$0x10400] =	vst v9;
	v9 =	vsel vm0, $0x3F800000, v0;
	vm0 =	vgt.f32 v11, v13;
	v13 =	vld [tilespmem:s31+$0x470];
	(pc) =	sbr.rel @p0 .LBB2_3-.Ltmp0, $4  }
0x7f: {  	[tilespmem:s31+$0x10410] =	vst v9;
	v9 =	vsel vm0, $0x3F800000, v0;
	vm0 =	vgt.f32 v19, v14;
	v11 =	vld [tilespmem:s31+$0x800]  }
0x80: {  	[tilespmem:s31+$0x10420] =	vst v9;
	v10 =	vsel vm0, $0x3F800000, v0;
	vm0 =	vgt.f32 v20, v15;
	v9 =	vld [tilespmem:s31+$0x810]  }
0x81: {  	[tilespmem:s31+$0x10430] =	vst v10;
	v14 =	vsel vm0, $0x3F800000, v0;
	vm0 =	vgt.f32 v17, v16;
	v10 =	vld [tilespmem:s31+$0x820]  }
0x82: {  	s3 =	sadd.s32 $0x800, s3;
	s13 =	sadd.s32 $0x100, s13;
	s5 =	sadd.s32 $0x20, s5;
	[tilespmem:s31+$0x10440] =	vst v14;
	v14 =	vsel vm0, $0x3F800000, v0;
	vm0 =	vgt.f32 v12, v18;
	v12 =	vld [tilespmem:s31+$0x830]  }
0x83: {  	[tilespmem:s31+$0x10450] =	vst v14;
	v14 =	vsel vm0, $0x3F800000, v0;
	vm0 =	vgt.f32 v13, v8;
	v8 =	vld [tilespmem:s31+$0x840]  }
0x84: {  	[tilespmem:s31+$0x10460] =	vst v14;
	v13 =	vsel vm0, $0x3F800000, v0;
	vm0 =	vgt.f32 v11, v7;
	v7 =	vld [tilespmem:s31+$0x850]  }
0x85: {  	[tilespmem:s31+$0x10470] =	vst v13;
	v11 =	vsel vm0, $0x3F800000, v0;
	vm0 =	vgt.f32 v9, v6;
	v6 =	vld [tilespmem:s31+$0x860]  }
0x86: {  	[tilespmem:s31+$0x10800] =	vst v11;
	v9 =	vsel vm0, $0x3F800000, v0;
	vm0 =	vgt.f32 v10, v5  }
0x87: {  	[tilespmem:s31+$0x10810] =	vst v9;
	v5 =	vsel vm0, $0x3F800000, v0;
	vm0 =	vgt.f32 v12, v4  }
0x88: {  	[tilespmem:s31+$0x10820] =	vst v5;
	v4 =	vsel vm0, $0x3F800000, v0;
	vm0 =	vgt.f32 v8, v3  }
0x89: {  	[tilespmem:s31+$0x10830] =	vst v4;
	v3 =	vsel vm0, $0x3F800000, v0;
	vm0 =	vgt.f32 v7, v2  }
0x8a: {  	[tilespmem:s31+$0x10840] =	vst v3;
	v2 =	vsel vm0, $0x3F800000, v0;
	vm0 =	vgt.f32 v6, v1  }
0x8b: {  	[tilespmem:s31+$0x10850] =	vst v2;
	v1 =	vsel vm0, $0x3F800000, v0  }
0x8c: {  	s0 =	sadd.s32 s30, s10;
	p0 =	seq.s32 s28, $0xF;
	[tilespmem:s31+$0x10860] =	vst v1  }
0x8d: {  	[hbm4b:s0+s6] =	stream.linear.scatter [tilespmem:s20], [sflag:$0x5], $0x4000, $0x38;
	[tilespmem:$0x18400] =	vst v63  }
0x8e: {  	s0 =	sadd.s32 @!p0 s30, s11  }
0x8f: {  	s5 =	simm.s32 @!p0 $0x0;
	s7 =	simm.s32 @!p0 $0x400;
	s3 =	sadd.s32 @!p0 s1, s0  }
0x90: {  	[tilespmem:s7], [sflag:$0x1] =	stream.linear.gather @!p0 [hbm4b:s3+s5], $0x4000, $0x38;
	[tilespmem:$0x18400] =	vst v63  }
0x91: {  	p1 =	seq.s32 @!p0 s28, $0x0;
	s0 =	sadd.s32 @!p0 s2, s0;
	s3 =	simm.s32 @!p0 $0x8400  }
0x92: {  	[tilespmem:s3], [sflag:$0x3] =	stream.linear.gather @!p0 [hbm4b:s0+s5], $0x4000, $0x38;
	[tilespmem:$0x18400] =	vst v63  }
0x93: {  	p0 =	por p0, !p1  }
0x94: {  	_ =	swait.ge @p0 [sflag:s25], $0x4000  }
0x95: {  	[sflag:s25] =	ssyncset.done @p0 $0x0  }
0x96: {  	[sflag:s25] =	ssyncadd.s32 @p0 $0xFFFFC000  }
0x97: {  	_ =	swait.ge [sflag:s21], $0x4000  }
0x98: {  	[sflag:s21] =	ssyncset.done $0x0  }
0x99: {  	s13 =	simm.s32 $0x0;
	[sflag:s21] =	ssyncadd.s32 $0xFFFFC000  }
0x9a: {  	s14 =	sand.u32 $0x2000, s13;
	s31 =	sand.u32 $0x1800, s13;
	_ =	swait.ge [sflag:s22], $0x4000  }
0x9b: {  	s3 =	sor.u32 s31, s14;
	s0 =	sand.u32 $0x380, s13;
	[sflag:s22] =	ssyncset.done $0x0  }
0x9c: {  	s30 =	sor.u32 s0, s3;
	[sflag:s22] =	ssyncadd.s32 $0xFFFFC000  }
0x9d: {  	v1 =	vld [tilespmem:s30+$0xC870]  }
0x9e: {  	v2 =	vld [tilespmem:s30+$0xC400]  }
0x9f: {  	v3 =	vld [tilespmem:s30+$0xC410]  }
0xa0: {  	v4 =	vld [tilespmem:s30+$0xC420]  }
0xa1: {  	v5 =	vld [tilespmem:s30+$0xC430]  }
0xa2: {  	v6 =	vld [tilespmem:s30+$0xC440]  }
0xa3: {  	v7 =	vld [tilespmem:s30+$0xC450]  }
0xa4: {  	v8 =	vld [tilespmem:s30+$0xC460]  }
0xa5: {  	v9 =	vld [tilespmem:s30+$0xC470]  }
0xa6: {  	v10 =	vld [tilespmem:s30+$0xC800]  }
0xa7: {  	v12 =	vld [tilespmem:s30+$0x4870]  }
0xa8: {  	v13 =	vld [tilespmem:s30+$0xC820]  }
0xa9: {  	v14 =	vld [tilespmem:s30+$0xC830];
	v1 =	vand.u32 $0x3FF, v1  }
0xaa: {  	v15 =	vld [tilespmem:s30+$0xC840]  }
0xab: {  	v16 =	vld [tilespmem:s30+$0xC850];
	v2 =	vand.u32 $0x3FF, v2  }
0xac: {  	v17 =	vld [tilespmem:s30+$0xC860];
	v3 =	vand.u32 $0x3FF, v3  }
0xad: {  	v61 =	vld [tilespmem:s30+$0x4430];
	v4 =	vand.u32 $0x3FF, v4  }
0xae: {  	v5 =	vand.u32 $0x3FF, v5;
	v11 =	vld.idx.msk [tilespmem:v1+s6+$0x0], $0xffff  }
0xaf: {  	v6 =	vand.u32 $0x3FF, v6;
	v1 =	vld [tilespmem:s30+$0xC810]  }
0xb0: {  	v7 =	vand.u32 $0x3FF, v7;
	v18 =	vld.idx.msk [tilespmem:v2+s6+$0x0], $0xffff  }
0xb1: {  	v2 =	vand.u32 $0x3FF, v8;
	v19 =	vld.idx.msk [tilespmem:v3+s6+$0x0], $0xffff  }
0xb2: {  	v3 =	vand.u32 $0x3FF, v9;
	v9 =	vld.idx.msk [tilespmem:v4+s6+$0x0], $0xffff  }
0xb3: {  	v4 =	vand.u32 $0x3FF, v10;
	v10 =	vld.idx.msk [tilespmem:v5+s6+$0x0], $0xffff  }
0xb4: {  	v20 =	vld.idx.msk [tilespmem:v6+s6+$0x0], $0xffff;
	v5 =	vand.u32 $0x3FF, v13;
	v13 =	vand.u32 $0x3FF, v14  }
0xb5: {  	v21 =	vld.idx.msk [tilespmem:v7+s6+$0x0], $0xffff  }
0xb6: {  	v1 =	vand.u32 $0x3FF, v1;
	v22 =	vld.idx.msk [tilespmem:v2+s6+$0x0], $0xffff  }
0xb7: {  	v2 =	vand.u32 $0x3FF, v15;
	v8 =	vld.idx.msk [tilespmem:v3+s6+$0x0], $0xffff  }
0xb8: {  	v14 =	vand.u32 $0x3FF, v16;
	v7 =	vld.idx.msk [tilespmem:v4+s6+$0x0], $0xffff  }
0xb9: {  	v15 =	vand.u32 $0x3FF, v17;
	v4 =	vld.idx.msk [tilespmem:v13+s6+$0x0], $0xffff  }
0xba: {  	v13 =	vld [tilespmem:s30+$0x4400]  }
0xbb: {  	v6 =	vld.idx.msk [tilespmem:v1+s6+$0x0], $0xffff  }
0xbc: {  	v3 =	vld.idx.msk [tilespmem:v2+s6+$0x0], $0xffff  }
0xbd: {  	v2 =	vld.idx.msk [tilespmem:v14+s6+$0x0], $0xffff  }
0xbe: {  	v1 =	vld.idx.msk [tilespmem:v15+s6+$0x0], $0xffff  }
0xbf: {  	v14 =	vld [tilespmem:s30+$0x4410]  }
0xc0: {  	v15 =	vld [tilespmem:s30+$0x4420]  }
0xc1: {  	v62 =	vld [tilespmem:s30+$0x4450]  }
0xc2: {  	vm0 =	vgt.f32 v12, v11;
	v12 =	vld [tilespmem:s30+$0x4440]  }
0xc3: {  	v63 =	vld [tilespmem:s30+$0x4460];
	v11 =	vsel vm0, $0x3F800000, v0;
	vm0 =	vgt.f32 v13, v18  }
0xc4: {  	v5 =	vld.idx.msk [tilespmem:v5+s6+$0x0], $0xffff;
	[tilespmem:s30+$0x14870] =	vst v11;
	v11 =	vsel vm0, $0x3F800000, v0;
	vm0 =	vgt.f32 v14, v19  }
0xc5: {  	v13 =	vld [tilespmem:s30+$0x4470];
	[tilespmem:s30+$0x14400] =	vst v11;
	v11 =	vsel vm0, $0x3F800000, v0;
	vm0 =	vgt.f32 v15, v9  }
0xc6: {  	[tilespmem:s30+$0x14410] =	vst v11;
	v9 =	vsel vm0, $0x3F800000, v0;
	vm0 =	vgt.f32 v61, v10;
	v11 =	vld [tilespmem:s30+$0x4800]  }
0xc7: {  	[tilespmem:s30+$0x14420] =	vst v9;
	v10 =	vsel vm0, $0x3F800000, v0;
	vm0 =	vgt.f32 v12, v20;
	v9 =	vld [tilespmem:s30+$0x4810]  }
0xc8: {  	s5 =	simm.s32 $0x20;
	[tilespmem:s30+$0x14430] =	vst v10;
	v12 =	vsel vm0, $0x3F800000, v0;
	vm0 =	vgt.f32 v62, v21;
	v10 =	vld [tilespmem:s30+$0x4820]  }
0xc9: {  	s13 =	simm.s32 $0x100;
	s0 =	simm.s32 $0x0;
	s3 =	simm.s32 $0x800;
	[tilespmem:s30+$0x14440] =	vst v12;
	v14 =	vsel vm0, $0x3F800000, v0;
	vm0 =	vgt.f32 v63, v22;
	v12 =	vld [tilespmem:s30+$0x4830]  }
.LBB2_5:
0xca: {  	s7 =	sand.u32 $0x2000, s13;
	s14 =	sand.u32 $0x1800, s3;
	s0 =	sadd.s32 $0x10, s0;
	[tilespmem:s30+$0x14450] =	vst v14;
	v14 =	vsel vm0, $0x3F800000, v0;
	vm0 =	vgt.f32 v13, v8;
	v8 =	vld [tilespmem:s30+$0x4840]  }
0xcb: {  	s7 =	sor.u32 s14, s7;
	s14 =	sand.u32 $0x380, s5;
	p0 =	slt.u32 s0, $0x3F0;
	[tilespmem:s30+$0x14460] =	vst v14;
	v13 =	vsel vm0, $0x3F800000, v0;
	vm0 =	vgt.f32 v11, v7;
	v7 =	vld [tilespmem:s30+$0x4850]  }
0xcc: {  	s7 =	sor.u32 s14, s7;
	[tilespmem:s30+$0x14470] =	vst v13;
	v11 =	vsel vm0, $0x3F800000, v0;
	vm0 =	vgt.f32 v9, v6;
	v6 =	vld [tilespmem:s30+$0x4860]  }
0xcd: {  	v9 =	vld [tilespmem:s7+$0xC870];
	[tilespmem:s30+$0x14800] =	vst v11;
	v11 =	vsel vm0, $0x3F800000, v0;
	vm0 =	vgt.f32 v10, v5  }
0xce: {  	v5 =	vld [tilespmem:s7+$0xC400];
	[tilespmem:s30+$0x14810] =	vst v11;
	v10 =	vsel vm0, $0x3F800000, v0;
	vm0 =	vgt.f32 v12, v4  }
0xcf: {  	v4 =	vld [tilespmem:s7+$0xC410];
	[tilespmem:s30+$0x14820] =	vst v10;
	v10 =	vsel vm0, $0x3F800000, v0;
	vm0 =	vgt.f32 v8, v3  }
0xd0: {  	v3 =	vld [tilespmem:s7+$0xC420];
	[tilespmem:s30+$0x14830] =	vst v10;
	v8 =	vsel vm0, $0x3F800000, v0;
	vm0 =	vgt.f32 v7, v2  }
0xd1: {  	v2 =	vld [tilespmem:s7+$0xC430];
	[tilespmem:s30+$0x14840] =	vst v8;
	v7 =	vsel vm0, $0x3F800000, v0;
	vm0 =	vgt.f32 v6, v1  }
0xd2: {  	v1 =	vld [tilespmem:s7+$0xC440];
	v6 =	vand.u32 $0x3FF, v9;
	[tilespmem:s30+$0x14850] =	vst v7;
	v7 =	vsel vm0, $0x3F800000, v0  }
0xd3: {  	v5 =	vand.u32 $0x3FF, v5;
	v8 =	vld [tilespmem:s7+$0xC450];
	[tilespmem:s30+$0x14860] =	vst v7;
	s30 =	smov.u32 s7  }
0xd4: {  	v4 =	vand.u32 $0x3FF, v4;
	v7 =	vld [tilespmem:s30+$0xC460]  }
0xd5: {  	v3 =	vand.u32 $0x3FF, v3;
	v9 =	vld [tilespmem:s30+$0xC470]  }
0xd6: {  	v2 =	vand.u32 $0x3FF, v2;
	v10 =	vld [tilespmem:s30+$0xC800]  }
0xd7: {  	v1 =	vand.u32 $0x3FF, v1;
	v6 =	vld.idx.msk [tilespmem:v6+s6+$0x0], $0xffff  }
0xd8: {  	v8 =	vand.u32 $0x3FF, v8;
	v11 =	vld [tilespmem:s30+$0x4870]  }
0xd9: {  	v7 =	vand.u32 $0x3FF, v7;
	v12 =	vld [tilespmem:s30+$0xC810]  }
0xda: {  	v9 =	vand.u32 $0x3FF, v9;
	v13 =	vld [tilespmem:s30+$0xC820]  }
0xdb: {  	v10 =	vand.u32 $0x3FF, v10;
	v14 =	vld [tilespmem:s30+$0xC830]  }
0xdc: {  	v15 =	vld [tilespmem:s30+$0xC840]  }
0xdd: {  	v16 =	vld [tilespmem:s30+$0xC850];
	vm0 =	vgt.f32 v11, v6  }
0xde: {  	v6 =	vand.u32 $0x3FF, v12;
	v11 =	vld [tilespmem:s30+$0xC860];
	v12 =	vsel vm0, $0x3F800000, v0  }
0xdf: {  	v17 =	vld.idx.msk [tilespmem:v5+s6+$0x0], $0xffff;
	v5 =	vand.u32 $0x3FF, v13;
	[tilespmem:s30+$0x14870] =	vst v12  }
0xe0: {  	v12 =	vld.idx.msk [tilespmem:v4+s6+$0x0], $0xffff;
	v4 =	vand.u32 $0x3FF, v14  }
0xe1: {  	v13 =	vld.idx.msk [tilespmem:v3+s6+$0x0], $0xffff;
	v3 =	vand.u32 $0x3FF, v15  }
0xe2: {  	v14 =	vld.idx.msk [tilespmem:v2+s6+$0x0], $0xffff;
	v2 =	vand.u32 $0x3FF, v16  }
0xe3: {  	v15 =	vld.idx.msk [tilespmem:v1+s6+$0x0], $0xffff;
	v1 =	vand.u32 $0x3FF, v11  }
0xe4: {  	v16 =	vld.idx.msk [tilespmem:v8+s6+$0x0], $0xffff  }
0xe5: {  	v18 =	vld.idx.msk [tilespmem:v7+s6+$0x0], $0xffff  }
0xe6: {  	v8 =	vld.idx.msk [tilespmem:v9+s6+$0x0], $0xffff  }
0xe7: {  	v7 =	vld.idx.msk [tilespmem:v10+s6+$0x0], $0xffff  }
0xe8: {  	v6 =	vld.idx.msk [tilespmem:v6+s6+$0x0], $0xffff  }
0xe9: {  	v5 =	vld.idx.msk [tilespmem:v5+s6+$0x0], $0xffff  }
0xea: {  	v4 =	vld.idx.msk [tilespmem:v4+s6+$0x0], $0xffff  }
0xeb: {  	v3 =	vld.idx.msk [tilespmem:v3+s6+$0x0], $0xffff  }
0xec: {  	v2 =	vld.idx.msk [tilespmem:v2+s6+$0x0], $0xffff  }
0xed: {  	v1 =	vld.idx.msk [tilespmem:v1+s6+$0x0], $0xffff  }
0xee: {  	v9 =	vld [tilespmem:s30+$0x4400]  }
0xef: {  	v10 =	vld [tilespmem:s30+$0x4410]  }
0xf0: {  	v11 =	vld [tilespmem:s30+$0x4420]  }
0xf1: {  	v19 =	vld [tilespmem:s30+$0x4430]  }
0xf2: {  	v20 =	vld [tilespmem:s30+$0x4440]  }
0xf3: {  	vm0 =	vgt.f32 v9, v17;
	v17 =	vld [tilespmem:s30+$0x4450]  }
0xf4: {  	v9 =	vsel vm0, $0x3F800000, v0;
	vm0 =	vgt.f32 v10, v12;
	v12 =	vld [tilespmem:s30+$0x4460]  }
.Ltmp1:
0xf5: {  	[tilespmem:s30+$0x14400] =	vst v9;
	v9 =	vsel vm0, $0x3F800000, v0;
	vm0 =	vgt.f32 v11, v13;
	v13 =	vld [tilespmem:s30+$0x4470];
	(pc) =	sbr.rel @p0 .LBB2_5-.Ltmp1, $4  }
0xf6: {  	[tilespmem:s30+$0x14410] =	vst v9;
	v9 =	vsel vm0, $0x3F800000, v0;
	vm0 =	vgt.f32 v19, v14;
	v11 =	vld [tilespmem:s30+$0x4800]  }
0xf7: {  	[tilespmem:s30+$0x14420] =	vst v9;
	v10 =	vsel vm0, $0x3F800000, v0;
	vm0 =	vgt.f32 v20, v15;
	v9 =	vld [tilespmem:s30+$0x4810]  }
0xf8: {  	[tilespmem:s30+$0x14430] =	vst v10;
	v14 =	vsel vm0, $0x3F800000, v0;
	vm0 =	vgt.f32 v17, v16;
	v10 =	vld [tilespmem:s30+$0x4820]  }
0xf9: {  	s3 =	sadd.s32 $0x800, s3;
	s13 =	sadd.s32 $0x100, s13;
	s5 =	sadd.s32 $0x20, s5;
	[tilespmem:s30+$0x14440] =	vst v14;
	v14 =	vsel vm0, $0x3F800000, v0;
	vm0 =	vgt.f32 v12, v18;
	v12 =	vld [tilespmem:s30+$0x4830]  }
0xfa: {  	[tilespmem:s30+$0x14450] =	vst v14;
	v60 =	vsel vm0, $0x3F800000, v0;
	vm8 =	vgt.f32 v13, v8;
	v61 =	vld [tilespmem:s30+$0x4840]  }
0xfb: {  	v62 =	vld [tilespmem:s30+$0x4850];
	[tilespmem:s30+$0x14460] =	vst v60;
	v13 =	vsel vm8, $0x3F800000, v0;
	vm9 =	vgt.f32 v11, v7  }
0xfc: {  	v63 =	vld [tilespmem:s30+$0x4860];
	[tilespmem:s30+$0x14470] =	vst v13;
	v11 =	vsel vm9, $0x3F800000, v0;
	vm10 =	vgt.f32 v9, v6  }
0xfd: {  	[tilespmem:s30+$0x14800] =	vst v11;
	v9 =	vsel vm10, $0x3F800000, v0;
	vm11 =	vgt.f32 v10, v5  }
0xfe: {  	s28 =	sadd.s32 $0x1, s28;
	[tilespmem:s30+$0x14810] =	vst v9;
	v5 =	vsel vm11, $0x3F800000, v0;
	vm12 =	vgt.f32 v12, v4  }
0xff: {  	p0 =	sne.s32 s28, $0x10;
	[tilespmem:s30+$0x14820] =	vst v5;
	v4 =	vsel vm12, $0x3F800000, v0;
	vm13 =	vgt.f32 v61, v3  }
.Ltmp2:
0x100: {  	vm14 =	vgt.f32 v62, v2;
	[tilespmem:s30+$0x14830] =	vst v4;
	v3 =	vsel vm13, $0x3F800000, v0;
	(pc) =	sbr.rel @p0 .LBB2_2-.Ltmp2, $4  }
0x101: {  	vm15 =	vgt.f32 v63, v1;
	v2 =	vsel vm14, $0x3F800000, v0;
	[tilespmem:s30+$0x14840] =	vst v3  }
0x102: {  	v1 =	vsel vm15, $0x3F800000, v0;
	[tilespmem:s30+$0x14850] =	vst v2  }
0x103: {  	s0 =	sadd.s32 s4, s29;
	[tilespmem:s30+$0x14860] =	vst v1  }
0x104: {  	[hbm4b:s0+s6] =	stream.linear.scatter [tilespmem:s23], [sflag:$0x6], $0x4000, $0x38;
	[tilespmem:$0x18400] =	vst v63  }
0x105: {  	s26 =	sadd.s32 $0x1, s26  }
0x106: {  	_ =	swait.ge [sflag:s24], $0x4000;
	p0 =	sne.s32 s26, s12  }
.Ltmp3:
0x107: {  	[sflag:s24] =	ssyncset.done $0x0;
	(pc) =	sbr.rel @p0 .LBB2_1-.Ltmp3, $4  }
0x108: {  	[sflag:s24] =	ssyncadd.s32 $0xFFFFC000  }
0x109: {  	_ =	swait.ge [sflag:s25], $0x4000  }
0x10a: {  	[sflag:s25] =	ssyncset.done $0x0  }
0x10b: {  	[sflag:s25] =	ssyncadd.s32 $0xFFFFC000  }
0x10c: {  	_ =	sfence.sel $0x180000  }
0x10d: {  	[bflag:$0x0] =	sbarrier.arrive $0xFFFF  }
0x10e: {  	_ =	strace $0x90000047  }
0x10f: {  	s0 =	stileid.u32;
	[bflag:$0x2] =	sbarrier.arrive $0xFFFF  }
0x110: {  	p0 =	sne.s32 s0, $0x0;
	s0 =	rddreg [dreg:$0x4]  }
0x111: {  	s0 =	sadd.s32 @!p0 $0x100000, s0  }
0x112: {  	[sflag:s0] =	ssyncadd.tile.s32 @!p0 $0x1;
	_ =	shalt  }
.Lfunc_end2:
_tile_overlayer_lowered:
.L_overlay_start_2:
0x113: {  	(tag) =	ssettag $0x2  }
0x114: {  	s0 =	rddreg [dreg:$0x0];
	s2 =	stileid.u32  }
0x115: {  	s1 =	rddreg [dreg:$0x1];
	p0 =	sne.s32 s2, $0x0  }
0x116: {  	s3 =	rddreg [dreg:$0x2];
	[bflag:$0x3] =	sbarrier.arrive $0xFFFF;
	s2 =	simm.s32 @!p0 $0x1C07  }
0x117: {  	[timem:s3], [sflag:s2] =	dma.local @!p0 [hbm:s0], s1  }
0x118: {  	s0 =	simm.s32 @!p0 $0x7  }
0x119: {  	_ =	swait.ge @!p0 [sflag:s0], s1  }
0x11a: {  	s1 =	ssub.s32 @!p0 $0x0, s1;
	[sflag:s0] =	ssyncset.done @!p0 $0x0  }
0x11b: {  	[sflag:s0] =	ssyncadd.s32 @!p0 s1  }
0x11c: {  	[bflag:$0x3] =	sbarrier.arrive $0xFFFF  }
0x11d: {  	_ =	shalt  }

</sc_bundles>
